<compile_context>
chip_gen: v7x
topology: tpu7x:2x2x1
jax: 0.10.2.dev20260603
libtpu: 0.0.44.dev20260713+nightly
codegen_flags: <defaults>
</compile_context>

<pallas_src>
import functools

import jax
import jax.numpy as jnp
from jax import lax
from jax.experimental import pallas as pl
from jax.experimental.pallas import tpu as pltpu
from jax.experimental.pallas import tpu_sc as plsc

NC = 2
NS = 16
NW = NC * NS
IDXW = 50
BCH = 4
NBUF = 4


@functools.lru_cache(maxsize=None)
def _make_gather(B, H, V, D):
    CH = BCH * H
    G = CH // IDXW
    b_per_w = B // NW
    t_per_w = b_per_w * H
    n_idx_rows = t_per_w // IDXW
    nch = b_per_w // BCH
    assert CH % IDXW == 0 and b_per_w % BCH == 0
    assert nch % NBUF == 0 and nch >= 2 * NBUF
    nq = nch // NBUF - 1

    mesh = plsc.VectorSubcoreMesh(
        core_axis_name="c", subcore_axis_name="s",
        num_cores=NC, num_subcores=NS)

    @functools.partial(
        pl.kernel,
        out_type=jax.ShapeDtypeStruct((B, H, D), jnp.float32),
        mesh=mesh,
        compiler_params=pltpu.CompilerParams(use_tc_tiling_on_sc=False),
        scratch_types=[
            pltpu.VMEM((n_idx_rows, IDXW), jnp.int32),
            [pltpu.VMEM((BCH, H, D), jnp.float32) for _ in range(NBUF)],
            [pltpu.SemaphoreType.DMA for _ in range(NBUF)],
        ],
    )
    def gather_kernel(table_hbm, idx_hbm, out_hbm, idx_v, bufs, gsems):
        wid = lax.axis_index("s") * NC + lax.axis_index("c")
        b_base = wid * b_per_w

        pltpu.sync_copy(idx_hbm.at[pl.ds(wid * n_idx_rows, n_idx_rows)], idx_v)

        def fire_slot(chunk, slot):
            for g in range(G):
                pltpu.async_copy(
                    table_hbm.at[idx_v.at[chunk * G + g]],
                    bufs[slot].at[g],
                    gsems[slot])

        def wait_slot(slot):
            pltpu.make_async_copy(
                out_hbm.at[pl.ds(0, BCH)], bufs[slot], gsems[slot]).wait()

        def store(chunk, slot):
            pltpu.sync_copy(
                bufs[slot],
                out_hbm.at[pl.ds(b_base + chunk * BCH, BCH)])

        for c in range(NBUF - 1):
            fire_slot(c, c)

        @pl.loop(0, nq)
        def _(q):
            i0 = q * NBUF
            for r in range(NBUF):
                wait_slot(r)
                fire_slot(i0 + r + NBUF - 1, (r + NBUF - 1) % NBUF)
                store(i0 + r, r)

        i0 = nq * NBUF
        fire_slot(i0 + NBUF - 1, NBUF - 1)
        for r in range(NBUF):
            wait_slot(r)
            store(i0 + r, r)

    return gather_kernel


def kernel(token_ids, weight):
    B, H = token_ids.shape
    V, D = weight.shape
    return _make_gather(B, H, V, D)(weight, token_ids.astype(jnp.int32))

# --- scband reference (transcript-rebuilt; emitter-appended) ---
"""Pipeline reference for scband-embedding-46033459478584 (READ-ONLY COPY).

The authoritative reference and input builder live on the scoring server;
editing this copy changes nothing except your own understanding.
"""

import jax, jax.numpy as jnp
import numpy as np

NUM_EMBEDDINGS = 1000000
EMBEDDING_DIM = 64
BATCH = 16384
HIST_LEN = 50


def setup_inputs(seed: int = 0) -> dict:
    key = jax.random.key(seed)
    k_idx, k_w = jax.random.split(key)
    token_ids = jax.random.randint(k_idx, (BATCH, HIST_LEN), 0, NUM_EMBEDDINGS, dtype=jnp.int64 if jax.config.jax_enable_x64 else jnp.int32)
    # trunc_normal_(std=1, a=-3, b=3) equivalent
    weight = jax.random.truncated_normal(k_w, -3.0, 3.0, (NUM_EMBEDDINGS, EMBEDDING_DIM), dtype=jnp.float32)
    return {"token_ids": token_ids, "weight": weight}


def reference(token_ids, weight):
    # self.weight[token_ids] -> gather along axis 0
    return jnp.take(weight, token_ids, axis=0)

if __name__ == "__main__":
    import jax
    _d = setup_inputs()
    print(jax.jit(kernel)(*tuple(_d.values())))

</pallas_src>

<mosaic_0001>
#map = affine_map<(d0, d1) -> (0, 0)>
#map1 = affine_map<(d0, d1) -> (0, 0, 0)>
module attributes {stable_mosaic.version = 14 : i64} {
  func.func @gather_kernel(%arg0: i32, %arg1: i32, %arg2: memref<1000000x64xf32, #tpu.memory_space<hbm>>, %arg3: memref<16384x50xi32, #tpu.memory_space<hbm>>, %arg4: memref<16384x50x64xf32, #tpu.memory_space<hbm>>, %arg5: memref<512x50xi32, #tpu.memory_space<vmem>>, %arg6: memref<4x50x64xf32, #tpu.memory_space<vmem>>, %arg7: memref<4x50x64xf32, #tpu.memory_space<vmem>>, %arg8: memref<4x50x64xf32, #tpu.memory_space<vmem>>, %arg9: memref<4x50x64xf32, #tpu.memory_space<vmem>>, %arg10: memref<!tpu.dma_semaphore, #tpu.memory_space<semaphore_mem>>, %arg11: memref<!tpu.dma_semaphore, #tpu.memory_space<semaphore_mem>>, %arg12: memref<!tpu.dma_semaphore, #tpu.memory_space<semaphore_mem>>, %arg13: memref<!tpu.dma_semaphore, #tpu.memory_space<semaphore_mem>>) attributes {dimension_semantics = [#tpu.dimension_semantics<core_parallel>, #tpu.dimension_semantics<subcore_parallel>], iteration_bounds = array<i64: 2, 16>, scalar_prefetch = 0 : i64, scratch_operands = 9 : i64, tpu.core_type = #tpu.core_type<sc_vector_subcore>, window_params = [{transform_indices = #map}, {transform_indices = #map}, {transform_indices = #map1}]} {
    %mul3A = arith.constant 2 : i32
    %mul3A_0 = arith.muli %arg1, %mul3A : i32
    %add3A = arith.addi %mul3A_0, %arg0 : i32
    %mul3A_1 = arith.constant 512 : i32
    %mul3A_2 = arith.muli %add3A, %mul3A_1 : i32
    %mul3A_3 = arith.constant 512 : i32
    %mul3A_4 = arith.muli %add3A, %mul3A_3 : i32
    "tpu.region"() ({
      %run_scoped3A = tpu.sem_alloc : memref<!tpu.dma_semaphore, #tpu.memory_space<semaphore_mem>>
      %dma_start3A_239 = arith.constant 0 : i32
      %dma_start3A_240 = tpu.memref_slice %arg3[%mul3A_4, %dma_start3A_239] : memref<16384x50xi32, #tpu.memory_space<hbm>> -> memref<512x50xi32, #tpu.memory_space<hbm>>
      %dma_start3A_241 = arith.constant 0 : i32
      %dma_start3A_242 = tpu.memref_slice %arg3[%mul3A_4, %dma_start3A_241] : memref<16384x50xi32, #tpu.memory_space<hbm>> -> memref<512x50xi32, #tpu.memory_space<hbm>>
      tpu.enqueue_dma source(%dma_start3A_242 : memref<512x50xi32, #tpu.memory_space<hbm>>) target(%arg5 : memref<512x50xi32, #tpu.memory_space<vmem>>) target_semaphore(%run_scoped3A : memref<!tpu.dma_semaphore, #tpu.memory_space<semaphore_mem>>)
      %dma_wait3A_243 = arith.constant 0 : i32
      %dma_wait3A_244 = tpu.memref_slice %arg3[%mul3A_4, %dma_wait3A_243] : memref<16384x50xi32, #tpu.memory_space<hbm>> -> memref<512x50xi32, #tpu.memory_space<hbm>>
      %dma_wait3A_245 = arith.constant 0 : i32
      %dma_wait3A_246 = tpu.memref_slice %arg3[%mul3A_4, %dma_wait3A_245] : memref<16384x50xi32, #tpu.memory_space<hbm>> -> memref<512x50xi32, #tpu.memory_space<hbm>>
      tpu.wait_dma2 semaphore(%run_scoped3A : memref<!tpu.dma_semaphore, #tpu.memory_space<semaphore_mem>>) src(%dma_wait3A_246 : memref<512x50xi32, #tpu.memory_space<hbm>>) dst(%arg5 : memref<512x50xi32, #tpu.memory_space<vmem>>)
      tpu.yield
    }) : () -> ()
    %dma_start3A = arith.constant 0 : i32
    %dma_start3A_5 = arith.constant 0 : i32
    %dma_start3A_6 = arith.constant 0 : i32
    %dma_start3A_7 = arith.constant 0 : i32
    %dma_start3A_8 = tpu.memref_slice %arg6[%dma_start3A_5, %dma_start3A_6, %dma_start3A_7] : memref<4x50x64xf32, #tpu.memory_space<vmem>> -> memref<1x50x64xf32, #tpu.memory_space<vmem>>
    %dma_start3A_9 = tpu.memref_squeeze %dma_start3A_8 : memref<1x50x64xf32, #tpu.memory_space<vmem>> -> memref<50x64xf32, #tpu.memory_space<vmem>>
    %dma_start3A_10 = arith.constant 0 : i32
    %dma_start3A_11 = tpu.memref_slice %arg5[%dma_start3A, %dma_start3A_10] : memref<512x50xi32, #tpu.memory_space<vmem>> -> memref<1x50xi32, #tpu.memory_space<vmem>>
    %dma_start3A_12 = tpu.memref_squeeze %dma_start3A_11 : memref<1x50xi32, #tpu.memory_space<vmem>> -> memref<50xi32, #tpu.memory_space<vmem>>
    %dma_start3A_13 = arith.constant 0 : i32
    %dma_start3A_14 = arith.constant 0 : i32
    %dma_start3A_15 = tpu.memref_slice %arg2[%dma_start3A_13, %dma_start3A_14] : memref<1000000x64xf32, #tpu.memory_space<hbm>> -> memref<1000000x64xf32, #tpu.memory_space<hbm>>
    tpu.enqueue_indirect_dma source(%dma_start3A_15 : memref<1000000x64xf32, #tpu.memory_space<hbm>>) target(%dma_start3A_9 : memref<50x64xf32, #tpu.memory_space<vmem>>) offsets(%dma_start3A_12 : memref<50xi32, #tpu.memory_space<vmem>>) semaphore(%arg10 : memref<!tpu.dma_semaphore, #tpu.memory_space<semaphore_mem>>)
    %dma_start3A_16 = arith.constant 1 : i32
    %dma_start3A_17 = arith.constant 1 : i32
    %dma_start3A_18 = arith.constant 0 : i32
    %dma_start3A_19 = arith.constant 0 : i32
    %dma_start3A_20 = tpu.memref_slice %arg6[%dma_start3A_17, %dma_start3A_18, %dma_start3A_19] : memref<4x50x64xf32, #tpu.memory_space<vmem>> -> memref<1x50x64xf32, #tpu.memory_space<vmem>>
    %dma_start3A_21 = tpu.memref_squeeze %dma_start3A_20 : memref<1x50x64xf32, #tpu.memory_space<vmem>> -> memref<50x64xf32, #tpu.memory_space<vmem>>
    %dma_start3A_22 = arith.constant 0 : i32
    %dma_start3A_23 = tpu.memref_slice %arg5[%dma_start3A_16, %dma_start3A_22] : memref<512x50xi32, #tpu.memory_space<vmem>> -> memref<1x50xi32, #tpu.memory_space<vmem>>
    %dma_start3A_24 = tpu.memref_squeeze %dma_start3A_23 : memref<1x50xi32, #tpu.memory_space<vmem>> -> memref<50xi32, #tpu.memory_space<vmem>>
    %dma_start3A_25 = arith.constant 0 : i32
    %dma_start3A_26 = arith.constant 0 : i32
    %dma_start3A_27 = tpu.memref_slice %arg2[%dma_start3A_25, %dma_start3A_26] : memref<1000000x64xf32, #tpu.memory_space<hbm>> -> memref<1000000x64xf32, #tpu.memory_space<hbm>>
    tpu.enqueue_indirect_dma source(%dma_start3A_27 : memref<1000000x64xf32, #tpu.memory_space<hbm>>) target(%dma_start3A_21 : memref<50x64xf32, #tpu.memory_space<vmem>>) offsets(%dma_start3A_24 : memref<50xi32, #tpu.memory_space<vmem>>) semaphore(%arg10 : memref<!tpu.dma_semaphore, #tpu.memory_space<semaphore_mem>>)
    %dma_start3A_28 = arith.constant 2 : i32
    %dma_start3A_29 = arith.constant 2 : i32
    %dma_start3A_30 = arith.constant 0 : i32
    %dma_start3A_31 = arith.constant 0 : i32
    %dma_start3A_32 = tpu.memref_slice %arg6[%dma_start3A_29, %dma_start3A_30, %dma_start3A_31] : memref<4x50x64xf32, #tpu.memory_space<vmem>> -> memref<1x50x64xf32, #tpu.memory_space<vmem>>
    %dma_start3A_33 = tpu.memref_squeeze %dma_start3A_32 : memref<1x50x64xf32, #tpu.memory_space<vmem>> -> memref<50x64xf32, #tpu.memory_space<vmem>>
    %dma_start3A_34 = arith.constant 0 : i32
    %dma_start3A_35 = tpu.memref_slice %arg5[%dma_start3A_28, %dma_start3A_34] : memref<512x50xi32, #tpu.memory_space<vmem>> -> memref<1x50xi32, #tpu.memory_space<vmem>>
    %dma_start3A_36 = tpu.memref_squeeze %dma_start3A_35 : memref<1x50xi32, #tpu.memory_space<vmem>> -> memref<50xi32, #tpu.memory_space<vmem>>
    %dma_start3A_37 = arith.constant 0 : i32
    %dma_start3A_38 = arith.constant 0 : i32
    %dma_start3A_39 = tpu.memref_slice %arg2[%dma_start3A_37, %dma_start3A_38] : memref<1000000x64xf32, #tpu.memory_space<hbm>> -> memref<1000000x64xf32, #tpu.memory_space<hbm>>
    tpu.enqueue_indirect_dma source(%dma_start3A_39 : memref<1000000x64xf32, #tpu.memory_space<hbm>>) target(%dma_start3A_33 : memref<50x64xf32, #tpu.memory_space<vmem>>) offsets(%dma_start3A_36 : memref<50xi32, #tpu.memory_space<vmem>>) semaphore(%arg10 : memref<!tpu.dma_semaphore, #tpu.memory_space<semaphore_mem>>)
    %dma_start3A_40 = arith.constant 3 : i32
    %dma_start3A_41 = arith.constant 3 : i32
    %dma_start3A_42 = arith.constant 0 : i32
    %dma_start3A_43 = arith.constant 0 : i32
    %dma_start3A_44 = tpu.memref_slice %arg6[%dma_start3A_41, %dma_start3A_42, %dma_start3A_43] : memref<4x50x64xf32, #tpu.memory_space<vmem>> -> memref<1x50x64xf32, #tpu.memory_space<vmem>>
    %dma_start3A_45 = tpu.memref_squeeze %dma_start3A_44 : memref<1x50x64xf32, #tpu.memory_space<vmem>> -> memref<50x64xf32, #tpu.memory_space<vmem>>
    %dma_start3A_46 = arith.constant 0 : i32
    %dma_start3A_47 = tpu.memref_slice %arg5[%dma_start3A_40, %dma_start3A_46] : memref<512x50xi32, #tpu.memory_space<vmem>> -> memref<1x50xi32, #tpu.memory_space<vmem>>
    %dma_start3A_48 = tpu.memref_squeeze %dma_start3A_47 : memref<1x50xi32, #tpu.memory_space<vmem>> -> memref<50xi32, #tpu.memory_space<vmem>>
    %dma_start3A_49 = arith.constant 0 : i32
    %dma_start3A_50 = arith.constant 0 : i32
    %dma_start3A_51 = tpu.memref_slice %arg2[%dma_start3A_49, %dma_start3A_50] : memref<1000000x64xf32, #tpu.memory_space<hbm>> -> memref<1000000x64xf32, #tpu.memory_space<hbm>>
    tpu.enqueue_indirect_dma source(%dma_start3A_51 : memref<1000000x64xf32, #tpu.memory_space<hbm>>) target(%dma_start3A_45 : memref<50x64xf32, #tpu.memory_space<vmem>>) offsets(%dma_start3A_48 : memref<50xi32, #tpu.memory_space<vmem>>) semaphore(%arg10 : memref<!tpu.dma_semaphore, #tpu.memory_space<semaphore_mem>>)
    %dma_start3A_52 = arith.constant 4 : i32
    %dma_start3A_53 = arith.constant 0 : i32
    %dma_start3A_54 = arith.constant 0 : i32
    %dma_start3A_55 = arith.constant 0 : i32
    %dma_start3A_56 = tpu.memref_slice %arg7[%dma_start3A_53, %dma_start3A_54, %dma_start3A_55] : memref<4x50x64xf32, #tpu.memory_space<vmem>> -> memref<1x50x64xf32, #tpu.memory_space<vmem>>
    %dma_start3A_57 = tpu.memref_squeeze %dma_start3A_56 : memref<1x50x64xf32, #tpu.memory_space<vmem>> -> memref<50x64xf32, #tpu.memory_space<vmem>>
    %dma_start3A_58 = arith.constant 0 : i32
    %dma_start3A_59 = tpu.memref_slice %arg5[%dma_start3A_52, %dma_start3A_58] : memref<512x50xi32, #tpu.memory_space<vmem>> -> memref<1x50xi32, #tpu.memory_space<vmem>>
    %dma_start3A_60 = tpu.memref_squeeze %dma_start3A_59 : memref<1x50xi32, #tpu.memory_space<vmem>> -> memref<50xi32, #tpu.memory_space<vmem>>
    %dma_start3A_61 = arith.constant 0 : i32
    %dma_start3A_62 = arith.constant 0 : i32
    %dma_start3A_63 = tpu.memref_slice %arg2[%dma_start3A_61, %dma_start3A_62] : memref<1000000x64xf32, #tpu.memory_space<hbm>> -> memref<1000000x64xf32, #tpu.memory_space<hbm>>
    tpu.enqueue_indirect_dma source(%dma_start3A_63 : memref<1000000x64xf32, #tpu.memory_space<hbm>>) target(%dma_start3A_57 : memref<50x64xf32, #tpu.memory_space<vmem>>) offsets(%dma_start3A_60 : memref<50xi32, #tpu.memory_space<vmem>>) semaphore(%arg11 : memref<!tpu.dma_semaphore, #tpu.memory_space<semaphore_mem>>)
    %dma_start3A_64 = arith.constant 5 : i32
    %dma_start3A_65 = arith.constant 1 : i32
    %dma_start3A_66 = arith.constant 0 : i32
    %dma_start3A_67 = arith.constant 0 : i32
    %dma_start3A_68 = tpu.memref_slice %arg7[%dma_start3A_65, %dma_start3A_66, %dma_start3A_67] : memref<4x50x64xf32, #tpu.memory_space<vmem>> -> memref<1x50x64xf32, #tpu.memory_space<vmem>>
    %dma_start3A_69 = tpu.memref_squeeze %dma_start3A_68 : memref<1x50x64xf32, #tpu.memory_space<vmem>> -> memref<50x64xf32, #tpu.memory_space<vmem>>
    %dma_start3A_70 = arith.constant 0 : i32
    %dma_start3A_71 = tpu.memref_slice %arg5[%dma_start3A_64, %dma_start3A_70] : memref<512x50xi32, #tpu.memory_space<vmem>> -> memref<1x50xi32, #tpu.memory_space<vmem>>
    %dma_start3A_72 = tpu.memref_squeeze %dma_start3A_71 : memref<1x50xi32, #tpu.memory_space<vmem>> -> memref<50xi32, #tpu.memory_space<vmem>>
    %dma_start3A_73 = arith.constant 0 : i32
    %dma_start3A_74 = arith.constant 0 : i32
    %dma_start3A_75 = tpu.memref_slice %arg2[%dma_start3A_73, %dma_start3A_74] : memref<1000000x64xf32, #tpu.memory_space<hbm>> -> memref<1000000x64xf32, #tpu.memory_space<hbm>>
    tpu.enqueue_indirect_dma source(%dma_start3A_75 : memref<1000000x64xf32, #tpu.memory_space<hbm>>) target(%dma_start3A_69 : memref<50x64xf32, #tpu.memory_space<vmem>>) offsets(%dma_start3A_72 : memref<50xi32, #tpu.memory_space<vmem>>) semaphore(%arg11 : memref<!tpu.dma_semaphore, #tpu.memory_space<semaphore_mem>>)
    %dma_start3A_76 = arith.constant 6 : i32
    %dma_start3A_77 = arith.constant 2 : i32
    %dma_start3A_78 = arith.constant 0 : i32
    %dma_start3A_79 = arith.constant 0 : i32
    %dma_start3A_80 = tpu.memref_slice %arg7[%dma_start3A_77, %dma_start3A_78, %dma_start3A_79] : memref<4x50x64xf32, #tpu.memory_space<vmem>> -> memref<1x50x64xf32, #tpu.memory_space<vmem>>
    %dma_start3A_81 = tpu.memref_squeeze %dma_start3A_80 : memref<1x50x64xf32, #tpu.memory_space<vmem>> -> memref<50x64xf32, #tpu.memory_space<vmem>>
    %dma_start3A_82 = arith.constant 0 : i32
    %dma_start3A_83 = tpu.memref_slice %arg5[%dma_start3A_76, %dma_start3A_82] : memref<512x50xi32, #tpu.memory_space<vmem>> -> memref<1x50xi32, #tpu.memory_space<vmem>>
    %dma_start3A_84 = tpu.memref_squeeze %dma_start3A_83 : memref<1x50xi32, #tpu.memory_space<vmem>> -> memref<50xi32, #tpu.memory_space<vmem>>
    %dma_start3A_85 = arith.constant 0 : i32
    %dma_start3A_86 = arith.constant 0 : i32
    %dma_start3A_87 = tpu.memref_slice %arg2[%dma_start3A_85, %dma_start3A_86] : memref<1000000x64xf32, #tpu.memory_space<hbm>> -> memref<1000000x64xf32, #tpu.memory_space<hbm>>
    tpu.enqueue_indirect_dma source(%dma_start3A_87 : memref<1000000x64xf32, #tpu.memory_space<hbm>>) target(%dma_start3A_81 : memref<50x64xf32, #tpu.memory_space<vmem>>) offsets(%dma_start3A_84 : memref<50xi32, #tpu.memory_space<vmem>>) semaphore(%arg11 : memref<!tpu.dma_semaphore, #tpu.memory_space<semaphore_mem>>)
    %dma_start3A_88 = arith.constant 7 : i32
    %dma_start3A_89 = arith.constant 3 : i32
    %dma_start3A_90 = arith.constant 0 : i32
    %dma_start3A_91 = arith.constant 0 : i32
    %dma_start3A_92 = tpu.memref_slice %arg7[%dma_start3A_89, %dma_start3A_90, %dma_start3A_91] : memref<4x50x64xf32, #tpu.memory_space<vmem>> -> memref<1x50x64xf32, #tpu.memory_space<vmem>>
    %dma_start3A_93 = tpu.memref_squeeze %dma_start3A_92 : memref<1x50x64xf32, #tpu.memory_space<vmem>> -> memref<50x64xf32, #tpu.memory_space<vmem>>
    %dma_start3A_94 = arith.constant 0 : i32
    %dma_start3A_95 = tpu.memref_slice %arg5[%dma_start3A_88, %dma_start3A_94] : memref<512x50xi32, #tpu.memory_space<vmem>> -> memref<1x50xi32, #tpu.memory_space<vmem>>
    %dma_start3A_96 = tpu.memref_squeeze %dma_start3A_95 : memref<1x50xi32, #tpu.memory_space<vmem>> -> memref<50xi32, #tpu.memory_space<vmem>>
    %dma_start3A_97 = arith.constant 0 : i32
    %dma_start3A_98 = arith.constant 0 : i32
    %dma_start3A_99 = tpu.memref_slice %arg2[%dma_start3A_97, %dma_start3A_98] : memref<1000000x64xf32, #tpu.memory_space<hbm>> -> memref<1000000x64xf32, #tpu.memory_space<hbm>>
    tpu.enqueue_indirect_dma source(%dma_start3A_99 : memref<1000000x64xf32, #tpu.memory_space<hbm>>) target(%dma_start3A_93 : memref<50x64xf32, #tpu.memory_space<vmem>>) offsets(%dma_start3A_96 : memref<50xi32, #tpu.memory_space<vmem>>) semaphore(%arg11 : memref<!tpu.dma_semaphore, #tpu.memory_space<semaphore_mem>>)
    %dma_start3A_100 = arith.constant 8 : i32
    %dma_start3A_101 = arith.constant 0 : i32
    %dma_start3A_102 = arith.constant 0 : i32
    %dma_start3A_103 = arith.constant 0 : i32
    %dma_start3A_104 = tpu.memref_slice %arg8[%dma_start3A_101, %dma_start3A_102, %dma_start3A_103] : memref<4x50x64xf32, #tpu.memory_space<vmem>> -> memref<1x50x64xf32, #tpu.memory_space<vmem>>
    %dma_start3A_105 = tpu.memref_squeeze %dma_start3A_104 : memref<1x50x64xf32, #tpu.memory_space<vmem>> -> memref<50x64xf32, #tpu.memory_space<vmem>>
    %dma_start3A_106 = arith.constant 0 : i32
    %dma_start3A_107 = tpu.memref_slice %arg5[%dma_start3A_100, %dma_start3A_106] : memref<512x50xi32, #tpu.memory_space<vmem>> -> memref<1x50xi32, #tpu.memory_space<vmem>>
    %dma_start3A_108 = tpu.memref_squeeze %dma_start3A_107 : memref<1x50xi32, #tpu.memory_space<vmem>> -> memref<50xi32, #tpu.memory_space<vmem>>
    %dma_start3A_109 = arith.constant 0 : i32
    %dma_start3A_110 = arith.constant 0 : i32
    %dma_start3A_111 = tpu.memref_slice %arg2[%dma_start3A_109, %dma_start3A_110] : memref<1000000x64xf32, #tpu.memory_space<hbm>> -> memref<1000000x64xf32, #tpu.memory_space<hbm>>
    tpu.enqueue_indirect_dma source(%dma_start3A_111 : memref<1000000x64xf32, #tpu.memory_space<hbm>>) target(%dma_start3A_105 : memref<50x64xf32, #tpu.memory_space<vmem>>) offsets(%dma_start3A_108 : memref<50xi32, #tpu.memory_space<vmem>>) semaphore(%arg12 : memref<!tpu.dma_semaphore, #tpu.memory_space<semaphore_mem>>)
    %dma_start3A_112 = arith.constant 9 : i32
    %dma_start3A_113 = arith.constant 1 : i32
    %dma_start3A_114 = arith.constant 0 : i32
    %dma_start3A_115 = arith.constant 0 : i32
    %dma_start3A_116 = tpu.memref_slice %arg8[%dma_start3A_113, %dma_start3A_114, %dma_start3A_115] : memref<4x50x64xf32, #tpu.memory_space<vmem>> -> memref<1x50x64xf32, #tpu.memory_space<vmem>>
    %dma_start3A_117 = tpu.memref_squeeze %dma_start3A_116 : memref<1x50x64xf32, #tpu.memory_space<vmem>> -> memref<50x64xf32, #tpu.memory_space<vmem>>
    %dma_start3A_118 = arith.constant 0 : i32
    %dma_start3A_119 = tpu.memref_slice %arg5[%dma_start3A_112, %dma_start3A_118] : memref<512x50xi32, #tpu.memory_space<vmem>> -> memref<1x50xi32, #tpu.memory_space<vmem>>
    %dma_start3A_120 = tpu.memref_squeeze %dma_start3A_119 : memref<1x50xi32, #tpu.memory_space<vmem>> -> memref<50xi32, #tpu.memory_space<vmem>>
    %dma_start3A_121 = arith.constant 0 : i32
    %dma_start3A_122 = arith.constant 0 : i32
    %dma_start3A_123 = tpu.memref_slice %arg2[%dma_start3A_121, %dma_start3A_122] : memref<1000000x64xf32, #tpu.memory_space<hbm>> -> memref<1000000x64xf32, #tpu.memory_space<hbm>>
    tpu.enqueue_indirect_dma source(%dma_start3A_123 : memref<1000000x64xf32, #tpu.memory_space<hbm>>) target(%dma_start3A_117 : memref<50x64xf32, #tpu.memory_space<vmem>>) offsets(%dma_start3A_120 : memref<50xi32, #tpu.memory_space<vmem>>) semaphore(%arg12 : memref<!tpu.dma_semaphore, #tpu.memory_space<semaphore_mem>>)
    %dma_start3A_124 = arith.constant 10 : i32
    %dma_start3A_125 = arith.constant 2 : i32
    %dma_start3A_126 = arith.constant 0 : i32
    %dma_start3A_127 = arith.constant 0 : i32
    %dma_start3A_128 = tpu.memref_slice %arg8[%dma_start3A_125, %dma_start3A_126, %dma_start3A_127] : memref<4x50x64xf32, #tpu.memory_space<vmem>> -> memref<1x50x64xf32, #tpu.memory_space<vmem>>
    %dma_start3A_129 = tpu.memref_squeeze %dma_start3A_128 : memref<1x50x64xf32, #tpu.memory_space<vmem>> -> memref<50x64xf32, #tpu.memory_space<vmem>>
    %dma_start3A_130 = arith.constant 0 : i32
    %dma_start3A_131 = tpu.memref_slice %arg5[%dma_start3A_124, %dma_start3A_130] : memref<512x50xi32, #tpu.memory_space<vmem>> -> memref<1x50xi32, #tpu.memory_space<vmem>>
    %dma_start3A_132 = tpu.memref_squeeze %dma_start3A_131 : memref<1x50xi32, #tpu.memory_space<vmem>> -> memref<50xi32, #tpu.memory_space<vmem>>
    %dma_start3A_133 = arith.constant 0 : i32
    %dma_start3A_134 = arith.constant 0 : i32
    %dma_start3A_135 = tpu.memref_slice %arg2[%dma_start3A_133, %dma_start3A_134] : memref<1000000x64xf32, #tpu.memory_space<hbm>> -> memref<1000000x64xf32, #tpu.memory_space<hbm>>
    tpu.enqueue_indirect_dma source(%dma_start3A_135 : memref<1000000x64xf32, #tpu.memory_space<hbm>>) target(%dma_start3A_129 : memref<50x64xf32, #tpu.memory_space<vmem>>) offsets(%dma_start3A_132 : memref<50xi32, #tpu.memory_space<vmem>>) semaphore(%arg12 : memref<!tpu.dma_semaphore, #tpu.memory_space<semaphore_mem>>)
    %dma_start3A_136 = arith.constant 11 : i32
    %dma_start3A_137 = arith.constant 3 : i32
    %dma_start3A_138 = arith.constant 0 : i32
    %dma_start3A_139 = arith.constant 0 : i32
    %dma_start3A_140 = tpu.memref_slice %arg8[%dma_start3A_137, %dma_start3A_138, %dma_start3A_139] : memref<4x50x64xf32, #tpu.memory_space<vmem>> -> memref<1x50x64xf32, #tpu.memory_space<vmem>>
    %dma_start3A_141 = tpu.memref_squeeze %dma_start3A_140 : memref<1x50x64xf32, #tpu.memory_space<vmem>> -> memref<50x64xf32, #tpu.memory_space<vmem>>
    %dma_start3A_142 = arith.constant 0 : i32
    %dma_start3A_143 = tpu.memref_slice %arg5[%dma_start3A_136, %dma_start3A_142] : memref<512x50xi32, #tpu.memory_space<vmem>> -> memref<1x50xi32, #tpu.memory_space<vmem>>
    %dma_start3A_144 = tpu.memref_squeeze %dma_start3A_143 : memref<1x50xi32, #tpu.memory_space<vmem>> -> memref<50xi32, #tpu.memory_space<vmem>>
    %dma_start3A_145 = arith.constant 0 : i32
    %dma_start3A_146 = arith.constant 0 : i32
    %dma_start3A_147 = tpu.memref_slice %arg2[%dma_start3A_145, %dma_start3A_146] : memref<1000000x64xf32, #tpu.memory_space<hbm>> -> memref<1000000x64xf32, #tpu.memory_space<hbm>>
    tpu.enqueue_indirect_dma source(%dma_start3A_147 : memref<1000000x64xf32, #tpu.memory_space<hbm>>) target(%dma_start3A_141 : memref<50x64xf32, #tpu.memory_space<vmem>>) offsets(%dma_start3A_144 : memref<50xi32, #tpu.memory_space<vmem>>) semaphore(%arg12 : memref<!tpu.dma_semaphore, #tpu.memory_space<semaphore_mem>>)
    %scan3A = arith.constant 0 : i32
    %scan3A_148 = arith.constant 31 : i32
    %scan3A_149 = arith.addi %scan3A, %scan3A_148 : i32
    %scan3A_150 = arith.constant 1 : i32
    scf.for %scan3A_239 = %scan3A to %scan3A_149 step %scan3A_150  : i32 {
      %mul3A_240 = arith.constant 1 : i32
      %mul3A_241 = arith.muli %scan3A_239, %mul3A_240 : i32
      %add3A_242 = arith.constant 0 : i32
      %add3A_243 = arith.addi %add3A_242, %mul3A_241 : i32
      %mul3A_244 = arith.constant 4 : i32
      %mul3A_245 = arith.muli %add3A_243, %mul3A_244 : i32
      %dma_wait3A_246 = arith.constant 0 : i32
      %dma_wait3A_247 = arith.constant 0 : i32
      %dma_wait3A_248 = arith.constant 0 : i32
      %dma_wait3A_249 = tpu.memref_slice %arg4[%dma_wait3A_246, %dma_wait3A_247, %dma_wait3A_248] : memref<16384x50x64xf32, #tpu.memory_space<hbm>> -> memref<4x50x64xf32, #tpu.memory_space<hbm>>
      %dma_wait3A_250 = arith.constant 0 : i32
      %dma_wait3A_251 = arith.constant 0 : i32
      %dma_wait3A_252 = arith.constant 0 : i32
      %dma_wait3A_253 = tpu.memref_slice %arg4[%dma_wait3A_250, %dma_wait3A_251, %dma_wait3A_252] : memref<16384x50x64xf32, #tpu.memory_space<hbm>> -> memref<4x50x64xf32, #tpu.memory_space<hbm>>
      tpu.wait_dma2 semaphore(%arg10 : memref<!tpu.dma_semaphore, #tpu.memory_space<semaphore_mem>>) src(%dma_wait3A_253 : memref<4x50x64xf32, #tpu.memory_space<hbm>>) dst(%arg6 : memref<4x50x64xf32, #tpu.memory_space<vmem>>)
      %add3A_254 = arith.constant 0 : i32
      %add3A_255 = arith.addi %mul3A_245, %add3A_254 : i32
      %add3A_256 = arith.constant 4 : i32
      %add3A_257 = arith.addi %add3A_255, %add3A_256 : i32
      %sub3A = arith.constant 1 : i32
      %sub3A_258 = arith.subi %add3A_257, %sub3A : i32
      %mul3A_259 = arith.constant 4 : i32
      %mul3A_260 = arith.muli %sub3A_258, %mul3A_259 : i32
      %add3A_261 = arith.constant 0 : i32
      %add3A_262 = arith.addi %mul3A_260, %add3A_261 : i32
      %dma_start3A_263 = arith.constant 0 : i32
      %dma_start3A_264 = arith.constant 0 : i32
      %dma_start3A_265 = arith.constant 0 : i32
      %dma_start3A_266 = tpu.memref_slice %arg9[%dma_start3A_263, %dma_start3A_264, %dma_start3A_265] : memref<4x50x64xf32, #tpu.memory_space<vmem>> -> memref<1x50x64xf32, #tpu.memory_space<vmem>>
      %dma_start3A_267 = tpu.memref_squeeze %dma_start3A_266 : memref<1x50x64xf32, #tpu.memory_space<vmem>> -> memref<50x64xf32, #tpu.memory_space<vmem>>
      %dma_start3A_268 = arith.constant 0 : i32
      %dma_start3A_269 = tpu.memref_slice %arg5[%add3A_262, %dma_start3A_268] : memref<512x50xi32, #tpu.memory_space<vmem>> -> memref<1x50xi32, #tpu.memory_space<vmem>>
      %dma_start3A_270 = tpu.memref_squeeze %dma_start3A_269 : memref<1x50xi32, #tpu.memory_space<vmem>> -> memref<50xi32, #tpu.memory_space<vmem>>
      %dma_start3A_271 = arith.constant 0 : i32
      %dma_start3A_272 = arith.constant 0 : i32
      %dma_start3A_273 = tpu.memref_slice %arg2[%dma_start3A_271, %dma_start3A_272] : memref<1000000x64xf32, #tpu.memory_space<hbm>> -> memref<1000000x64xf32, #tpu.memory_space<hbm>>
      tpu.enqueue_indirect_dma source(%dma_start3A_273 : memref<1000000x64xf32, #tpu.memory_space<hbm>>) target(%dma_start3A_267 : memref<50x64xf32, #tpu.memory_space<vmem>>) offsets(%dma_start3A_270 : memref<50xi32, #tpu.memory_space<vmem>>) semaphore(%arg13 : memref<!tpu.dma_semaphore, #tpu.memory_space<semaphore_mem>>)
      %mul3A_274 = arith.constant 4 : i32
      %mul3A_275 = arith.muli %sub3A_258, %mul3A_274 : i32
      %add3A_276 = arith.constant 1 : i32
      %add3A_277 = arith.addi %mul3A_275, %add3A_276 : i32
      %dma_start3A_278 = arith.constant 1 : i32
      %dma_start3A_279 = arith.constant 0 : i32
      %dma_start3A_280 = arith.constant 0 : i32
      %dma_start3A_281 = tpu.memref_slice %arg9[%dma_start3A_278, %dma_start3A_279, %dma_start3A_280] : memref<4x50x64xf32, #tpu.memory_space<vmem>> -> memref<1x50x64xf32, #tpu.memory_space<vmem>>
      %dma_start3A_282 = tpu.memref_squeeze %dma_start3A_281 : memref<1x50x64xf32, #tpu.memory_space<vmem>> -> memref<50x64xf32, #tpu.memory_space<vmem>>
      %dma_start3A_283 = arith.constant 0 : i32
      %dma_start3A_284 = tpu.memref_slice %arg5[%add3A_277, %dma_start3A_283] : memref<512x50xi32, #tpu.memory_space<vmem>> -> memref<1x50xi32, #tpu.memory_space<vmem>>
      %dma_start3A_285 = tpu.memref_squeeze %dma_start3A_284 : memref<1x50xi32, #tpu.memory_space<vmem>> -> memref<50xi32, #tpu.memory_space<vmem>>
      %dma_start3A_286 = arith.constant 0 : i32
      %dma_start3A_287 = arith.constant 0 : i32
      %dma_start3A_288 = tpu.memref_slice %arg2[%dma_start3A_286, %dma_start3A_287] : memref<1000000x64xf32, #tpu.memory_space<hbm>> -> memref<1000000x64xf32, #tpu.memory_space<hbm>>
      tpu.enqueue_indirect_dma source(%dma_start3A_288 : memref<1000000x64xf32, #tpu.memory_space<hbm>>) target(%dma_start3A_282 : memref<50x64xf32, #tpu.memory_space<vmem>>) offsets(%dma_start3A_285 : memref<50xi32, #tpu.memory_space<vmem>>) semaphore(%arg13 : memref<!tpu.dma_semaphore, #tpu.memory_space<semaphore_mem>>)
      %mul3A_289 = arith.constant 4 : i32
      %mul3A_290 = arith.muli %sub3A_258, %mul3A_289 : i32
      %add3A_291 = arith.constant 2 : i32
      %add3A_292 = arith.addi %mul3A_290, %add3A_291 : i32
      %dma_start3A_293 = arith.constant 2 : i32
      %dma_start3A_294 = arith.constant 0 : i32
      %dma_start3A_295 = arith.constant 0 : i32
      %dma_start3A_296 = tpu.memref_slice %arg9[%dma_start3A_293, %dma_start3A_294, %dma_start3A_295] : memref<4x50x64xf32, #tpu.memory_space<vmem>> -> memref<1x50x64xf32, #tpu.memory_space<vmem>>
      %dma_start3A_297 = tpu.memref_squeeze %dma_start3A_296 : memref<1x50x64xf32, #tpu.memory_space<vmem>> -> memref<50x64xf32, #tpu.memory_space<vmem>>
      %dma_start3A_298 = arith.constant 0 : i32
      %dma_start3A_299 = tpu.memref_slice %arg5[%add3A_292, %dma_start3A_298] : memref<512x50xi32, #tpu.memory_space<vmem>> -> memref<1x50xi32, #tpu.memory_space<vmem>>
      %dma_start3A_300 = tpu.memref_squeeze %dma_start3A_299 : memref<1x50xi32, #tpu.memory_space<vmem>> -> memref<50xi32, #tpu.memory_space<vmem>>
      %dma_start3A_301 = arith.constant 0 : i32
      %dma_start3A_302 = arith.constant 0 : i32
      %dma_start3A_303 = tpu.memref_slice %arg2[%dma_start3A_301, %dma_start3A_302] : memref<1000000x64xf32, #tpu.memory_space<hbm>> -> memref<1000000x64xf32, #tpu.memory_space<hbm>>
      tpu.enqueue_indirect_dma source(%dma_start3A_303 : memref<1000000x64xf32, #tpu.memory_space<hbm>>) target(%dma_start3A_297 : memref<50x64xf32, #tpu.memory_space<vmem>>) offsets(%dma_start3A_300 : memref<50xi32, #tpu.memory_space<vmem>>) semaphore(%arg13 : memref<!tpu.dma_semaphore, #tpu.memory_space<semaphore_mem>>)
      %mul3A_304 = arith.constant 4 : i32
      %mul3A_305 = arith.muli %sub3A_258, %mul3A_304 : i32
      %add3A_306 = arith.constant 3 : i32
      %add3A_307 = arith.addi %mul3A_305, %add3A_306 : i32
      %dma_start3A_308 = arith.constant 3 : i32
      %dma_start3A_309 = arith.constant 0 : i32
      %dma_start3A_310 = arith.constant 0 : i32
      %dma_start3A_311 = tpu.memref_slice %arg9[%dma_start3A_308, %dma_start3A_309, %dma_start3A_310] : memref<4x50x64xf32, #tpu.memory_space<vmem>> -> memref<1x50x64xf32, #tpu.memory_space<vmem>>
      %dma_start3A_312 = tpu.memref_squeeze %dma_start3A_311 : memref<1x50x64xf32, #tpu.memory_space<vmem>> -> memref<50x64xf32, #tpu.memory_space<vmem>>
      %dma_start3A_313 = arith.constant 0 : i32
      %dma_start3A_314 = tpu.memref_slice %arg5[%add3A_307, %dma_start3A_313] : memref<512x50xi32, #tpu.memory_space<vmem>> -> memref<1x50xi32, #tpu.memory_space<vmem>>
      %dma_start3A_315 = tpu.memref_squeeze %dma_start3A_314 : memref<1x50xi32, #tpu.memory_space<vmem>> -> memref<50xi32, #tpu.memory_space<vmem>>
      %dma_start3A_316 = arith.constant 0 : i32
      %dma_start3A_317 = arith.constant 0 : i32
      %dma_start3A_318 = tpu.memref_slice %arg2[%dma_start3A_316, %dma_start3A_317] : memref<1000000x64xf32, #tpu.memory_space<hbm>> -> memref<1000000x64xf32, #tpu.memory_space<hbm>>
      tpu.enqueue_indirect_dma source(%dma_start3A_318 : memref<1000000x64xf32, #tpu.memory_space<hbm>>) target(%dma_start3A_312 : memref<50x64xf32, #tpu.memory_space<vmem>>) offsets(%dma_start3A_315 : memref<50xi32, #tpu.memory_space<vmem>>) semaphore(%arg13 : memref<!tpu.dma_semaphore, #tpu.memory_space<semaphore_mem>>)
      %add3A_319 = arith.constant 0 : i32
      %add3A_320 = arith.addi %mul3A_245, %add3A_319 : i32
      %mul3A_321 = arith.constant 4 : i32
      %mul3A_322 = arith.muli %add3A_320, %mul3A_321 : i32
      %add3A_323 = arith.addi %mul3A_2, %mul3A_322 : i32
      "tpu.region"() ({
        %run_scoped3A = tpu.sem_alloc : memref<!tpu.dma_semaphore, #tpu.memory_space<semaphore_mem>>
        %dma_start3A_561 = arith.constant 0 : i32
        %dma_start3A_562 = arith.constant 0 : i32
        %dma_start3A_563 = tpu.memref_slice %arg4[%add3A_323, %dma_start3A_561, %dma_start3A_562] : memref<16384x50x64xf32, #tpu.memory_space<hbm>> -> memref<4x50x64xf32, #tpu.memory_space<hbm>>
        %dma_start3A_564 = arith.constant 0 : i32
        %dma_start3A_565 = arith.constant 0 : i32
        %dma_start3A_566 = tpu.memref_slice %arg4[%add3A_323, %dma_start3A_564, %dma_start3A_565] : memref<16384x50x64xf32, #tpu.memory_space<hbm>> -> memref<4x50x64xf32, #tpu.memory_space<hbm>>
        tpu.enqueue_dma source(%arg6 : memref<4x50x64xf32, #tpu.memory_space<vmem>>) target(%dma_start3A_566 : memref<4x50x64xf32, #tpu.memory_space<hbm>>) target_semaphore(%run_scoped3A : memref<!tpu.dma_semaphore, #tpu.memory_space<semaphore_mem>>)
        %dma_wait3A_567 = arith.constant 0 : i32
        %dma_wait3A_568 = arith.constant 0 : i32
        %dma_wait3A_569 = tpu.memref_slice %arg4[%add3A_323, %dma_wait3A_567, %dma_wait3A_568] : memref<16384x50x64xf32, #tpu.memory_space<hbm>> -> memref<4x50x64xf32, #tpu.memory_space<hbm>>
        %dma_wait3A_570 = arith.constant 0 : i32
        %dma_wait3A_571 = arith.constant 0 : i32
        %dma_wait3A_572 = tpu.memref_slice %arg4[%add3A_323, %dma_wait3A_570, %dma_wait3A_571] : memref<16384x50x64xf32, #tpu.memory_space<hbm>> -> memref<4x50x64xf32, #tpu.memory_space<hbm>>
        tpu.wait_dma2 semaphore(%run_scoped3A : memref<!tpu.dma_semaphore, #tpu.memory_space<semaphore_mem>>) src(%arg6 : memref<4x50x64xf32, #tpu.memory_space<vmem>>) dst(%dma_wait3A_572 : memref<4x50x64xf32, #tpu.memory_space<hbm>>)
        tpu.yield
      }) : () -> ()
      %dma_wait3A_324 = arith.constant 0 : i32
      %dma_wait3A_325 = arith.constant 0 : i32
      %dma_wait3A_326 = arith.constant 0 : i32
      %dma_wait3A_327 = tpu.memref_slice %arg4[%dma_wait3A_324, %dma_wait3A_325, %dma_wait3A_326] : memref<16384x50x64xf32, #tpu.memory_space<hbm>> -> memref<4x50x64xf32, #tpu.memory_space<hbm>>
      %dma_wait3A_328 = arith.constant 0 : i32
      %dma_wait3A_329 = arith.constant 0 : i32
      %dma_wait3A_330 = arith.constant 0 : i32
      %dma_wait3A_331 = tpu.memref_slice %arg4[%dma_wait3A_328, %dma_wait3A_329, %dma_wait3A_330] : memref<16384x50x64xf32, #tpu.memory_space<hbm>> -> memref<4x50x64xf32, #tpu.memory_space<hbm>>
      tpu.wait_dma2 semaphore(%arg11 : memref<!tpu.dma_semaphore, #tpu.memory_space<semaphore_mem>>) src(%dma_wait3A_331 : memref<4x50x64xf32, #tpu.memory_space<hbm>>) dst(%arg7 : memref<4x50x64xf32, #tpu.memory_space<vmem>>)
      %add3A_332 = arith.constant 1 : i32
      %add3A_333 = arith.addi %mul3A_245, %add3A_332 : i32
      %add3A_334 = arith.constant 4 : i32
      %add3A_335 = arith.addi %add3A_333, %add3A_334 : i32
      %sub3A_336 = arith.constant 1 : i32
      %sub3A_337 = arith.subi %add3A_335, %sub3A_336 : i32
      %mul3A_338 = arith.constant 4 : i32
      %mul3A_339 = arith.muli %sub3A_337, %mul3A_338 : i32
      %add3A_340 = arith.constant 0 : i32
      %add3A_341 = arith.addi %mul3A_339, %add3A_340 : i32
      %dma_start3A_342 = arith.constant 0 : i32
      %dma_start3A_343 = arith.constant 0 : i32
      %dma_start3A_344 = arith.constant 0 : i32
      %dma_start3A_345 = tpu.memref_slice %arg6[%dma_start3A_342, %dma_start3A_343, %dma_start3A_344] : memref<4x50x64xf32, #tpu.memory_space<vmem>> -> memref<1x50x64xf32, #tpu.memory_space<vmem>>
      %dma_start3A_346 = tpu.memref_squeeze %dma_start3A_345 : memref<1x50x64xf32, #tpu.memory_space<vmem>> -> memref<50x64xf32, #tpu.memory_space<vmem>>
      %dma_start3A_347 = arith.constant 0 : i32
      %dma_start3A_348 = tpu.memref_slice %arg5[%add3A_341, %dma_start3A_347] : memref<512x50xi32, #tpu.memory_space<vmem>> -> memref<1x50xi32, #tpu.memory_space<vmem>>
      %dma_start3A_349 = tpu.memref_squeeze %dma_start3A_348 : memref<1x50xi32, #tpu.memory_space<vmem>> -> memref<50xi32, #tpu.memory_space<vmem>>
      %dma_start3A_350 = arith.constant 0 : i32
      %dma_start3A_351 = arith.constant 0 : i32
      %dma_start3A_352 = tpu.memref_slice %arg2[%dma_start3A_350, %dma_start3A_351] : memref<1000000x64xf32, #tpu.memory_space<hbm>> -> memref<1000000x64xf32, #tpu.memory_space<hbm>>
      tpu.enqueue_indirect_dma source(%dma_start3A_352 : memref<1000000x64xf32, #tpu.memory_space<hbm>>) target(%dma_start3A_346 : memref<50x64xf32, #tpu.memory_space<vmem>>) offsets(%dma_start3A_349 : memref<50xi32, #tpu.memory_space<vmem>>) semaphore(%arg10 : memref<!tpu.dma_semaphore, #tpu.memory_space<semaphore_mem>>)
      %mul3A_353 = arith.constant 4 : i32
      %mul3A_354 = arith.muli %sub3A_337, %mul3A_353 : i32
      %add3A_355 = arith.constant 1 : i32
      %add3A_356 = arith.addi %mul3A_354, %add3A_355 : i32
      %dma_start3A_357 = arith.constant 1 : i32
      %dma_start3A_358 = arith.constant 0 : i32
      %dma_start3A_359 = arith.constant 0 : i32
      %dma_start3A_360 = tpu.memref_slice %arg6[%dma_start3A_357, %dma_start3A_358, %dma_start3A_359] : memref<4x50x64xf32, #tpu.memory_space<vmem>> -> memref<1x50x64xf32, #tpu.memory_space<vmem>>
      %dma_start3A_361 = tpu.memref_squeeze %dma_start3A_360 : memref<1x50x64xf32, #tpu.memory_space<vmem>> -> memref<50x64xf32, #tpu.memory_space<vmem>>
      %dma_start3A_362 = arith.constant 0 : i32
      %dma_start3A_363 = tpu.memref_slice %arg5[%add3A_356, %dma_start3A_362] : memref<512x50xi32, #tpu.memory_space<vmem>> -> memref<1x50xi32, #tpu.memory_space<vmem>>
      %dma_start3A_364 = tpu.memref_squeeze %dma_start3A_363 : memref<1x50xi32, #tpu.memory_space<vmem>> -> memref<50xi32, #tpu.memory_space<vmem>>
      %dma_start3A_365 = arith.constant 0 : i32
      %dma_start3A_366 = arith.constant 0 : i32
      %dma_start3A_367 = tpu.memref_slice %arg2[%dma_start3A_365, %dma_start3A_366] : memref<1000000x64xf32, #tpu.memory_space<hbm>> -> memref<1000000x64xf32, #tpu.memory_space<hbm>>
      tpu.enqueue_indirect_dma source(%dma_start3A_367 : memref<1000000x64xf32, #tpu.memory_space<hbm>>) target(%dma_start3A_361 : memref<50x64xf32, #tpu.memory_space<vmem>>) offsets(%dma_start3A_364 : memref<50xi32, #tpu.memory_space<vmem>>) semaphore(%arg10 : memref<!tpu.dma_semaphore, #tpu.memory_space<semaphore_mem>>)
      %mul3A_368 = arith.constant 4 : i32
      %mul3A_369 = arith.muli %sub3A_337, %mul3A_368 : i32
      %add3A_370 = arith.constant 2 : i32
      %add3A_371 = arith.addi %mul3A_369, %add3A_370 : i32
      %dma_start3A_372 = arith.constant 2 : i32
      %dma_start3A_373 = arith.constant 0 : i32
      %dma_start3A_374 = arith.constant 0 : i32
      %dma_start3A_375 = tpu.memref_slice %arg6[%dma_start3A_372, %dma_start3A_373, %dma_start3A_374] : memref<4x50x64xf32, #tpu.memory_space<vmem>> -> memref<1x50x64xf32, #tpu.memory_space<vmem>>
      %dma_start3A_376 = tpu.memref_squeeze %dma_start3A_375 : memref<1x50x64xf32, #tpu.memory_space<vmem>> -> memref<50x64xf32, #tpu.memory_space<vmem>>
      %dma_start3A_377 = arith.constant 0 : i32
      %dma_start3A_378 = tpu.memref_slice %arg5[%add3A_371, %dma_start3A_377] : memref<512x50xi32, #tpu.memory_space<vmem>> -> memref<1x50xi32, #tpu.memory_space<vmem>>
      %dma_start3A_379 = tpu.memref_squeeze %dma_start3A_378 : memref<1x50xi32, #tpu.memory_space<vmem>> -> memref<50xi32, #tpu.memory_space<vmem>>
      %dma_start3A_380 = arith.constant 0 : i32
      %dma_start3A_381 = arith.constant 0 : i32
      %dma_start3A_382 = tpu.memref_slice %arg2[%dma_start3A_380, %dma_start3A_381] : memref<1000000x64xf32, #tpu.memory_space<hbm>> -> memref<1000000x64xf32, #tpu.memory_space<hbm>>
      tpu.enqueue_indirect_dma source(%dma_start3A_382 : memref<1000000x64xf32, #tpu.memory_space<hbm>>) target(%dma_start3A_376 : memref<50x64xf32, #tpu.memory_space<vmem>>) offsets(%dma_start3A_379 : memref<50xi32, #tpu.memory_space<vmem>>) semaphore(%arg10 : memref<!tpu.dma_semaphore, #tpu.memory_space<semaphore_mem>>)
      %mul3A_383 = arith.constant 4 : i32
      %mul3A_384 = arith.muli %sub3A_337, %mul3A_383 : i32
      %add3A_385 = arith.constant 3 : i32
      %add3A_386 = arith.addi %mul3A_384, %add3A_385 : i32
      %dma_start3A_387 = arith.constant 3 : i32
      %dma_start3A_388 = arith.constant 0 : i32
      %dma_start3A_389 = arith.constant 0 : i32
      %dma_start3A_390 = tpu.memref_slice %arg6[%dma_start3A_387, %dma_start3A_388, %dma_start3A_389] : memref<4x50x64xf32, #tpu.memory_space<vmem>> -> memref<1x50x64xf32, #tpu.memory_space<vmem>>
      %dma_start3A_391 = tpu.memref_squeeze %dma_start3A_390 : memref<1x50x64xf32, #tpu.memory_space<vmem>> -> memref<50x64xf32, #tpu.memory_space<vmem>>
      %dma_start3A_392 = arith.constant 0 : i32
      %dma_start3A_393 = tpu.memref_slice %arg5[%add3A_386, %dma_start3A_392] : memref<512x50xi32, #tpu.memory_space<vmem>> -> memref<1x50xi32, #tpu.memory_space<vmem>>
      %dma_start3A_394 = tpu.memref_squeeze %dma_start3A_393 : memref<1x50xi32, #tpu.memory_space<vmem>> -> memref<50xi32, #tpu.memory_space<vmem>>
      %dma_start3A_395 = arith.constant 0 : i32
      %dma_start3A_396 = arith.constant 0 : i32
      %dma_start3A_397 = tpu.memref_slice %arg2[%dma_start3A_395, %dma_start3A_396] : memref<1000000x64xf32, #tpu.memory_space<hbm>> -> memref<1000000x64xf32, #tpu.memory_space<hbm>>
      tpu.enqueue_indirect_dma source(%dma_start3A_397 : memref<1000000x64xf32, #tpu.memory_space<hbm>>) target(%dma_start3A_391 : memref<50x64xf32, #tpu.memory_space<vmem>>) offsets(%dma_start3A_394 : memref<50xi32, #tpu.memory_space<vmem>>) semaphore(%arg10 : memref<!tpu.dma_semaphore, #tpu.memory_space<semaphore_mem>>)
      %add3A_398 = arith.constant 1 : i32
      %add3A_399 = arith.addi %mul3A_245, %add3A_398 : i32
      %mul3A_400 = arith.constant 4 : i32
      %mul3A_401 = arith.muli %add3A_399, %mul3A_400 : i32
      %add3A_402 = arith.addi %mul3A_2, %mul3A_401 : i32
      "tpu.region"() ({
        %run_scoped3A = tpu.sem_alloc : memref<!tpu.dma_semaphore, #tpu.memory_space<semaphore_mem>>
        %dma_start3A_561 = arith.constant 0 : i32
        %dma_start3A_562 = arith.constant 0 : i32
        %dma_start3A_563 = tpu.memref_slice %arg4[%add3A_402, %dma_start3A_561, %dma_start3A_562] : memref<16384x50x64xf32, #tpu.memory_space<hbm>> -> memref<4x50x64xf32, #tpu.memory_space<hbm>>
        %dma_start3A_564 = arith.constant 0 : i32
        %dma_start3A_565 = arith.constant 0 : i32
        %dma_start3A_566 = tpu.memref_slice %arg4[%add3A_402, %dma_start3A_564, %dma_start3A_565] : memref<16384x50x64xf32, #tpu.memory_space<hbm>> -> memref<4x50x64xf32, #tpu.memory_space<hbm>>
        tpu.enqueue_dma source(%arg7 : memref<4x50x64xf32, #tpu.memory_space<vmem>>) target(%dma_start3A_566 : memref<4x50x64xf32, #tpu.memory_space<hbm>>) target_semaphore(%run_scoped3A : memref<!tpu.dma_semaphore, #tpu.memory_space<semaphore_mem>>)
        %dma_wait3A_567 = arith.constant 0 : i32
        %dma_wait3A_568 = arith.constant 0 : i32
        %dma_wait3A_569 = tpu.memref_slice %arg4[%add3A_402, %dma_wait3A_567, %dma_wait3A_568] : memref<16384x50x64xf32, #tpu.memory_space<hbm>> -> memref<4x50x64xf32, #tpu.memory_space<hbm>>
        %dma_wait3A_570 = arith.constant 0 : i32
        %dma_wait3A_571 = arith.constant 0 : i32
        %dma_wait3A_572 = tpu.memref_slice %arg4[%add3A_402, %dma_wait3A_570, %dma_wait3A_571] : memref<16384x50x64xf32, #tpu.memory_space<hbm>> -> memref<4x50x64xf32, #tpu.memory_space<hbm>>
        tpu.wait_dma2 semaphore(%run_scoped3A : memref<!tpu.dma_semaphore, #tpu.memory_space<semaphore_mem>>) src(%arg7 : memref<4x50x64xf32, #tpu.memory_space<vmem>>) dst(%dma_wait3A_572 : memref<4x50x64xf32, #tpu.memory_space<hbm>>)
        tpu.yield
      }) : () -> ()
      %dma_wait3A_403 = arith.constant 0 : i32
      %dma_wait3A_404 = arith.constant 0 : i32
      %dma_wait3A_405 = arith.constant 0 : i32
      %dma_wait3A_406 = tpu.memref_slice %arg4[%dma_wait3A_403, %dma_wait3A_404, %dma_wait3A_405] : memref<16384x50x64xf32, #tpu.memory_space<hbm>> -> memref<4x50x64xf32, #tpu.memory_space<hbm>>
      %dma_wait3A_407 = arith.constant 0 : i32
      %dma_wait3A_408 = arith.constant 0 : i32
      %dma_wait3A_409 = arith.constant 0 : i32
      %dma_wait3A_410 = tpu.memref_slice %arg4[%dma_wait3A_407, %dma_wait3A_408, %dma_wait3A_409] : memref<16384x50x64xf32, #tpu.memory_space<hbm>> -> memref<4x50x64xf32, #tpu.memory_space<hbm>>
      tpu.wait_dma2 semaphore(%arg12 : memref<!tpu.dma_semaphore, #tpu.memory_space<semaphore_mem>>) src(%dma_wait3A_410 : memref<4x50x64xf32, #tpu.memory_space<hbm>>) dst(%arg8 : memref<4x50x64xf32, #tpu.memory_space<vmem>>)
      %add3A_411 = arith.constant 2 : i32
      %add3A_412 = arith.addi %mul3A_245, %add3A_411 : i32
      %add3A_413 = arith.constant 4 : i32
      %add3A_414 = arith.addi %add3A_412, %add3A_413 : i32
      %sub3A_415 = arith.constant 1 : i32
      %sub3A_416 = arith.subi %add3A_414, %sub3A_415 : i32
      %mul3A_417 = arith.constant 4 : i32
      %mul3A_418 = arith.muli %sub3A_416, %mul3A_417 : i32
      %add3A_419 = arith.constant 0 : i32
      %add3A_420 = arith.addi %mul3A_418, %add3A_419 : i32
      %dma_start3A_421 = arith.constant 0 : i32
      %dma_start3A_422 = arith.constant 0 : i32
      %dma_start3A_423 = arith.constant 0 : i32
      %dma_start3A_424 = tpu.memref_slice %arg7[%dma_start3A_421, %dma_start3A_422, %dma_start3A_423] : memref<4x50x64xf32, #tpu.memory_space<vmem>> -> memref<1x50x64xf32, #tpu.memory_space<vmem>>
      %dma_start3A_425 = tpu.memref_squeeze %dma_start3A_424 : memref<1x50x64xf32, #tpu.memory_space<vmem>> -> memref<50x64xf32, #tpu.memory_space<vmem>>
      %dma_start3A_426 = arith.constant 0 : i32
      %dma_start3A_427 = tpu.memref_slice %arg5[%add3A_420, %dma_start3A_426] : memref<512x50xi32, #tpu.memory_space<vmem>> -> memref<1x50xi32, #tpu.memory_space<vmem>>
      %dma_start3A_428 = tpu.memref_squeeze %dma_start3A_427 : memref<1x50xi32, #tpu.memory_space<vmem>> -> memref<50xi32, #tpu.memory_space<vmem>>
      %dma_start3A_429 = arith.constant 0 : i32
      %dma_start3A_430 = arith.constant 0 : i32
      %dma_start3A_431 = tpu.memref_slice %arg2[%dma_start3A_429, %dma_start3A_430] : memref<1000000x64xf32, #tpu.memory_space<hbm>> -> memref<1000000x64xf32, #tpu.memory_space<hbm>>
      tpu.enqueue_indirect_dma source(%dma_start3A_431 : memref<1000000x64xf32, #tpu.memory_space<hbm>>) target(%dma_start3A_425 : memref<50x64xf32, #tpu.memory_space<vmem>>) offsets(%dma_start3A_428 : memref<50xi32, #tpu.memory_space<vmem>>) semaphore(%arg11 : memref<!tpu.dma_semaphore, #tpu.memory_space<semaphore_mem>>)
      %mul3A_432 = arith.constant 4 : i32
      %mul3A_433 = arith.muli %sub3A_416, %mul3A_432 : i32
      %add3A_434 = arith.constant 1 : i32
      %add3A_435 = arith.addi %mul3A_433, %add3A_434 : i32
      %dma_start3A_436 = arith.constant 1 : i32
      %dma_start3A_437 = arith.constant 0 : i32
      %dma_start3A_438 = arith.constant 0 : i32
      %dma_start3A_439 = tpu.memref_slice %arg7[%dma_start3A_436, %dma_start3A_437, %dma_start3A_438] : memref<4x50x64xf32, #tpu.memory_space<vmem>> -> memref<1x50x64xf32, #tpu.memory_space<vmem>>
      %dma_start3A_440 = tpu.memref_squeeze %dma_start3A_439 : memref<1x50x64xf32, #tpu.memory_space<vmem>> -> memref<50x64xf32, #tpu.memory_space<vmem>>
      %dma_start3A_441 = arith.constant 0 : i32
      %dma_start3A_442 = tpu.memref_slice %arg5[%add3A_435, %dma_start3A_441] : memref<512x50xi32, #tpu.memory_space<vmem>> -> memref<1x50xi32, #tpu.memory_space<vmem>>
      %dma_start3A_443 = tpu.memref_squeeze %dma_start3A_442 : memref<1x50xi32, #tpu.memory_space<vmem>> -> memref<50xi32, #tpu.memory_space<vmem>>
      %dma_start3A_444 = arith.constant 0 : i32
      %dma_start3A_445 = arith.constant 0 : i32
      %dma_start3A_446 = tpu.memref_slice %arg2[%dma_start3A_444, %dma_start3A_445] : memref<1000000x64xf32, #tpu.memory_space<hbm>> -> memref<1000000x64xf32, #tpu.memory_space<hbm>>
      tpu.enqueue_indirect_dma source(%dma_start3A_446 : memref<1000000x64xf32, #tpu.memory_space<hbm>>) target(%dma_start3A_440 : memref<50x64xf32, #tpu.memory_space<vmem>>) offsets(%dma_start3A_443 : memref<50xi32, #tpu.memory_space<vmem>>) semaphore(%arg11 : memref<!tpu.dma_semaphore, #tpu.memory_space<semaphore_mem>>)
      %mul3A_447 = arith.constant 4 : i32
      %mul3A_448 = arith.muli %sub3A_416, %mul3A_447 : i32
      %add3A_449 = arith.constant 2 : i32
      %add3A_450 = arith.addi %mul3A_448, %add3A_449 : i32
      %dma_start3A_451 = arith.constant 2 : i32
      %dma_start3A_452 = arith.constant 0 : i32
      %dma_start3A_453 = arith.constant 0 : i32
      %dma_start3A_454 = tpu.memref_slice %arg7[%dma_start3A_451, %dma_start3A_452, %dma_start3A_453] : memref<4x50x64xf32, #tpu.memory_space<vmem>> -> memref<1x50x64xf32, #tpu.memory_space<vmem>>
      %dma_start3A_455 = tpu.memref_squeeze %dma_start3A_454 : memref<1x50x64xf32, #tpu.memory_space<vmem>> -> memref<50x64xf32, #tpu.memory_space<vmem>>
      %dma_start3A_456 = arith.constant 0 : i32
      %dma_start3A_457 = tpu.memref_slice %arg5[%add3A_450, %dma_start3A_456] : memref<512x50xi32, #tpu.memory_space<vmem>> -> memref<1x50xi32, #tpu.memory_space<vmem>>
      %dma_start3A_458 = tpu.memref_squeeze %dma_start3A_457 : memref<1x50xi32, #tpu.memory_space<vmem>> -> memref<50xi32, #tpu.memory_space<vmem>>
      %dma_start3A_459 = arith.constant 0 : i32
      %dma_start3A_460 = arith.constant 0 : i32
      %dma_start3A_461 = tpu.memref_slice %arg2[%dma_start3A_459, %dma_start3A_460] : memref<1000000x64xf32, #tpu.memory_space<hbm>> -> memref<1000000x64xf32, #tpu.memory_space<hbm>>
      tpu.enqueue_indirect_dma source(%dma_start3A_461 : memref<1000000x64xf32, #tpu.memory_space<hbm>>) target(%dma_start3A_455 : memref<50x64xf32, #tpu.memory_space<vmem>>) offsets(%dma_start3A_458 : memref<50xi32, #tpu.memory_space<vmem>>) semaphore(%arg11 : memref<!tpu.dma_semaphore, #tpu.memory_space<semaphore_mem>>)
      %mul3A_462 = arith.constant 4 : i32
      %mul3A_463 = arith.muli %sub3A_416, %mul3A_462 : i32
      %add3A_464 = arith.constant 3 : i32
      %add3A_465 = arith.addi %mul3A_463, %add3A_464 : i32
      %dma_start3A_466 = arith.constant 3 : i32
      %dma_start3A_467 = arith.constant 0 : i32
      %dma_start3A_468 = arith.constant 0 : i32
      %dma_start3A_469 = tpu.memref_slice %arg7[%dma_start3A_466, %dma_start3A_467, %dma_start3A_468] : memref<4x50x64xf32, #tpu.memory_space<vmem>> -> memref<1x50x64xf32, #tpu.memory_space<vmem>>
      %dma_start3A_470 = tpu.memref_squeeze %dma_start3A_469 : memref<1x50x64xf32, #tpu.memory_space<vmem>> -> memref<50x64xf32, #tpu.memory_space<vmem>>
      %dma_start3A_471 = arith.constant 0 : i32
      %dma_start3A_472 = tpu.memref_slice %arg5[%add3A_465, %dma_start3A_471] : memref<512x50xi32, #tpu.memory_space<vmem>> -> memref<1x50xi32, #tpu.memory_space<vmem>>
      %dma_start3A_473 = tpu.memref_squeeze %dma_start3A_472 : memref<1x50xi32, #tpu.memory_space<vmem>> -> memref<50xi32, #tpu.memory_space<vmem>>
      %dma_start3A_474 = arith.constant 0 : i32
      %dma_start3A_475 = arith.constant 0 : i32
      %dma_start3A_476 = tpu.memref_slice %arg2[%dma_start3A_474, %dma_start3A_475] : memref<1000000x64xf32, #tpu.memory_space<hbm>> -> memref<1000000x64xf32, #tpu.memory_space<hbm>>
      tpu.enqueue_indirect_dma source(%dma_start3A_476 : memref<1000000x64xf32, #tpu.memory_space<hbm>>) target(%dma_start3A_470 : memref<50x64xf32, #tpu.memory_space<vmem>>) offsets(%dma_start3A_473 : memref<50xi32, #tpu.memory_space<vmem>>) semaphore(%arg11 : memref<!tpu.dma_semaphore, #tpu.memory_space<semaphore_mem>>)
      %add3A_477 = arith.constant 2 : i32
      %add3A_478 = arith.addi %mul3A_245, %add3A_477 : i32
      %mul3A_479 = arith.constant 4 : i32
      %mul3A_480 = arith.muli %add3A_478, %mul3A_479 : i32
      %add3A_481 = arith.addi %mul3A_2, %mul3A_480 : i32
      "tpu.region"() ({
        %run_scoped3A = tpu.sem_alloc : memref<!tpu.dma_semaphore, #tpu.memory_space<semaphore_mem>>
        %dma_start3A_561 = arith.constant 0 : i32
        %dma_start3A_562 = arith.constant 0 : i32
        %dma_start3A_563 = tpu.memref_slice %arg4[%add3A_481, %dma_start3A_561, %dma_start3A_562] : memref<16384x50x64xf32, #tpu.memory_space<hbm>> -> memref<4x50x64xf32, #tpu.memory_space<hbm>>
        %dma_start3A_564 = arith.constant 0 : i32
        %dma_start3A_565 = arith.constant 0 : i32
        %dma_start3A_566 = tpu.memref_slice %arg4[%add3A_481, %dma_start3A_564, %dma_start3A_565] : memref<16384x50x64xf32, #tpu.memory_space<hbm>> -> memref<4x50x64xf32, #tpu.memory_space<hbm>>
        tpu.enqueue_dma source(%arg8 : memref<4x50x64xf32, #tpu.memory_space<vmem>>) target(%dma_start3A_566 : memref<4x50x64xf32, #tpu.memory_space<hbm>>) target_semaphore(%run_scoped3A : memref<!tpu.dma_semaphore, #tpu.memory_space<semaphore_mem>>)
        %dma_wait3A_567 = arith.constant 0 : i32
        %dma_wait3A_568 = arith.constant 0 : i32
        %dma_wait3A_569 = tpu.memref_slice %arg4[%add3A_481, %dma_wait3A_567, %dma_wait3A_568] : memref<16384x50x64xf32, #tpu.memory_space<hbm>> -> memref<4x50x64xf32, #tpu.memory_space<hbm>>
        %dma_wait3A_570 = arith.constant 0 : i32
        %dma_wait3A_571 = arith.constant 0 : i32
        %dma_wait3A_572 = tpu.memref_slice %arg4[%add3A_481, %dma_wait3A_570, %dma_wait3A_571] : memref<16384x50x64xf32, #tpu.memory_space<hbm>> -> memref<4x50x64xf32, #tpu.memory_space<hbm>>
        tpu.wait_dma2 semaphore(%run_scoped3A : memref<!tpu.dma_semaphore, #tpu.memory_space<semaphore_mem>>) src(%arg8 : memref<4x50x64xf32, #tpu.memory_space<vmem>>) dst(%dma_wait3A_572 : memref<4x50x64xf32, #tpu.memory_space<hbm>>)
        tpu.yield
      }) : () -> ()
      %dma_wait3A_482 = arith.constant 0 : i32
      %dma_wait3A_483 = arith.constant 0 : i32
      %dma_wait3A_484 = arith.constant 0 : i32
      %dma_wait3A_485 = tpu.memref_slice %arg4[%dma_wait3A_482, %dma_wait3A_483, %dma_wait3A_484] : memref<16384x50x64xf32, #tpu.memory_space<hbm>> -> memref<4x50x64xf32, #tpu.memory_space<hbm>>
      %dma_wait3A_486 = arith.constant 0 : i32
      %dma_wait3A_487 = arith.constant 0 : i32
      %dma_wait3A_488 = arith.constant 0 : i32
      %dma_wait3A_489 = tpu.memref_slice %arg4[%dma_wait3A_486, %dma_wait3A_487, %dma_wait3A_488] : memref<16384x50x64xf32, #tpu.memory_space<hbm>> -> memref<4x50x64xf32, #tpu.memory_space<hbm>>
      tpu.wait_dma2 semaphore(%arg13 : memref<!tpu.dma_semaphore, #tpu.memory_space<semaphore_mem>>) src(%dma_wait3A_489 : memref<4x50x64xf32, #tpu.memory_space<hbm>>) dst(%arg9 : memref<4x50x64xf32, #tpu.memory_space<vmem>>)
      %add3A_490 = arith.constant 3 : i32
      %add3A_491 = arith.addi %mul3A_245, %add3A_490 : i32
      %add3A_492 = arith.constant 4 : i32
      %add3A_493 = arith.addi %add3A_491, %add3A_492 : i32
      %sub3A_494 = arith.constant 1 : i32
      %sub3A_495 = arith.subi %add3A_493, %sub3A_494 : i32
      %mul3A_496 = arith.constant 4 : i32
      %mul3A_497 = arith.muli %sub3A_495, %mul3A_496 : i32
      %add3A_498 = arith.constant 0 : i32
      %add3A_499 = arith.addi %mul3A_497, %add3A_498 : i32
      %dma_start3A_500 = arith.constant 0 : i32
      %dma_start3A_501 = arith.constant 0 : i32
      %dma_start3A_502 = arith.constant 0 : i32
      %dma_start3A_503 = tpu.memref_slice %arg8[%dma_start3A_500, %dma_start3A_501, %dma_start3A_502] : memref<4x50x64xf32, #tpu.memory_space<vmem>> -> memref<1x50x64xf32, #tpu.memory_space<vmem>>
      %dma_start3A_504 = tpu.memref_squeeze %dma_start3A_503 : memref<1x50x64xf32, #tpu.memory_space<vmem>> -> memref<50x64xf32, #tpu.memory_space<vmem>>
      %dma_start3A_505 = arith.constant 0 : i32
      %dma_start3A_506 = tpu.memref_slice %arg5[%add3A_499, %dma_start3A_505] : memref<512x50xi32, #tpu.memory_space<vmem>> -> memref<1x50xi32, #tpu.memory_space<vmem>>
      %dma_start3A_507 = tpu.memref_squeeze %dma_start3A_506 : memref<1x50xi32, #tpu.memory_space<vmem>> -> memref<50xi32, #tpu.memory_space<vmem>>
      %dma_start3A_508 = arith.constant 0 : i32
      %dma_start3A_509 = arith.constant 0 : i32
      %dma_start3A_510 = tpu.memref_slice %arg2[%dma_start3A_508, %dma_start3A_509] : memref<1000000x64xf32, #tpu.memory_space<hbm>> -> memref<1000000x64xf32, #tpu.memory_space<hbm>>
      tpu.enqueue_indirect_dma source(%dma_start3A_510 : memref<1000000x64xf32, #tpu.memory_space<hbm>>) target(%dma_start3A_504 : memref<50x64xf32, #tpu.memory_space<vmem>>) offsets(%dma_start3A_507 : memref<50xi32, #tpu.memory_space<vmem>>) semaphore(%arg12 : memref<!tpu.dma_semaphore, #tpu.memory_space<semaphore_mem>>)
      %mul3A_511 = arith.constant 4 : i32
      %mul3A_512 = arith.muli %sub3A_495, %mul3A_511 : i32
      %add3A_513 = arith.constant 1 : i32
      %add3A_514 = arith.addi %mul3A_512, %add3A_513 : i32
      %dma_start3A_515 = arith.constant 1 : i32
      %dma_start3A_516 = arith.constant 0 : i32
      %dma_start3A_517 = arith.constant 0 : i32
      %dma_start3A_518 = tpu.memref_slice %arg8[%dma_start3A_515, %dma_start3A_516, %dma_start3A_517] : memref<4x50x64xf32, #tpu.memory_space<vmem>> -> memref<1x50x64xf32, #tpu.memory_space<vmem>>
      %dma_start3A_519 = tpu.memref_squeeze %dma_start3A_518 : memref<1x50x64xf32, #tpu.memory_space<vmem>> -> memref<50x64xf32, #tpu.memory_space<vmem>>
      %dma_start3A_520 = arith.constant 0 : i32
      %dma_start3A_521 = tpu.memref_slice %arg5[%add3A_514, %dma_start3A_520] : memref<512x50xi32, #tpu.memory_space<vmem>> -> memref<1x50xi32, #tpu.memory_space<vmem>>
      %dma_start3A_522 = tpu.memref_squeeze %dma_start3A_521 : memref<1x50xi32, #tpu.memory_space<vmem>> -> memref<50xi32, #tpu.memory_space<vmem>>
      %dma_start3A_523 = arith.constant 0 : i32
      %dma_start3A_524 = arith.constant 0 : i32
      %dma_start3A_525 = tpu.memref_slice %arg2[%dma_start3A_523, %dma_start3A_524] : memref<1000000x64xf32, #tpu.memory_space<hbm>> -> memref<1000000x64xf32, #tpu.memory_space<hbm>>
      tpu.enqueue_indirect_dma source(%dma_start3A_525 : memref<1000000x64xf32, #tpu.memory_space<hbm>>) target(%dma_start3A_519 : memref<50x64xf32, #tpu.memory_space<vmem>>) offsets(%dma_start3A_522 : memref<50xi32, #tpu.memory_space<vmem>>) semaphore(%arg12 : memref<!tpu.dma_semaphore, #tpu.memory_space<semaphore_mem>>)
      %mul3A_526 = arith.constant 4 : i32
      %mul3A_527 = arith.muli %sub3A_495, %mul3A_526 : i32
      %add3A_528 = arith.constant 2 : i32
      %add3A_529 = arith.addi %mul3A_527, %add3A_528 : i32
      %dma_start3A_530 = arith.constant 2 : i32
      %dma_start3A_531 = arith.constant 0 : i32
      %dma_start3A_532 = arith.constant 0 : i32
      %dma_start3A_533 = tpu.memref_slice %arg8[%dma_start3A_530, %dma_start3A_531, %dma_start3A_532] : memref<4x50x64xf32, #tpu.memory_space<vmem>> -> memref<1x50x64xf32, #tpu.memory_space<vmem>>
      %dma_start3A_534 = tpu.memref_squeeze %dma_start3A_533 : memref<1x50x64xf32, #tpu.memory_space<vmem>> -> memref<50x64xf32, #tpu.memory_space<vmem>>
      %dma_start3A_535 = arith.constant 0 : i32
      %dma_start3A_536 = tpu.memref_slice %arg5[%add3A_529, %dma_start3A_535] : memref<512x50xi32, #tpu.memory_space<vmem>> -> memref<1x50xi32, #tpu.memory_space<vmem>>
      %dma_start3A_537 = tpu.memref_squeeze %dma_start3A_536 : memref<1x50xi32, #tpu.memory_space<vmem>> -> memref<50xi32, #tpu.memory_space<vmem>>
      %dma_start3A_538 = arith.constant 0 : i32
      %dma_start3A_539 = arith.constant 0 : i32
      %dma_start3A_540 = tpu.memref_slice %arg2[%dma_start3A_538, %dma_start3A_539] : memref<1000000x64xf32, #tpu.memory_space<hbm>> -> memref<1000000x64xf32, #tpu.memory_space<hbm>>
      tpu.enqueue_indirect_dma source(%dma_start3A_540 : memref<1000000x64xf32, #tpu.memory_space<hbm>>) target(%dma_start3A_534 : memref<50x64xf32, #tpu.memory_space<vmem>>) offsets(%dma_start3A_537 : memref<50xi32, #tpu.memory_space<vmem>>) semaphore(%arg12 : memref<!tpu.dma_semaphore, #tpu.memory_space<semaphore_mem>>)
      %mul3A_541 = arith.constant 4 : i32
      %mul3A_542 = arith.muli %sub3A_495, %mul3A_541 : i32
      %add3A_543 = arith.constant 3 : i32
      %add3A_544 = arith.addi %mul3A_542, %add3A_543 : i32
      %dma_start3A_545 = arith.constant 3 : i32
      %dma_start3A_546 = arith.constant 0 : i32
      %dma_start3A_547 = arith.constant 0 : i32
      %dma_start3A_548 = tpu.memref_slice %arg8[%dma_start3A_545, %dma_start3A_546, %dma_start3A_547] : memref<4x50x64xf32, #tpu.memory_space<vmem>> -> memref<1x50x64xf32, #tpu.memory_space<vmem>>
      %dma_start3A_549 = tpu.memref_squeeze %dma_start3A_548 : memref<1x50x64xf32, #tpu.memory_space<vmem>> -> memref<50x64xf32, #tpu.memory_space<vmem>>
      %dma_start3A_550 = arith.constant 0 : i32
      %dma_start3A_551 = tpu.memref_slice %arg5[%add3A_544, %dma_start3A_550] : memref<512x50xi32, #tpu.memory_space<vmem>> -> memref<1x50xi32, #tpu.memory_space<vmem>>
      %dma_start3A_552 = tpu.memref_squeeze %dma_start3A_551 : memref<1x50xi32, #tpu.memory_space<vmem>> -> memref<50xi32, #tpu.memory_space<vmem>>
      %dma_start3A_553 = arith.constant 0 : i32
      %dma_start3A_554 = arith.constant 0 : i32
      %dma_start3A_555 = tpu.memref_slice %arg2[%dma_start3A_553, %dma_start3A_554] : memref<1000000x64xf32, #tpu.memory_space<hbm>> -> memref<1000000x64xf32, #tpu.memory_space<hbm>>
      tpu.enqueue_indirect_dma source(%dma_start3A_555 : memref<1000000x64xf32, #tpu.memory_space<hbm>>) target(%dma_start3A_549 : memref<50x64xf32, #tpu.memory_space<vmem>>) offsets(%dma_start3A_552 : memref<50xi32, #tpu.memory_space<vmem>>) semaphore(%arg12 : memref<!tpu.dma_semaphore, #tpu.memory_space<semaphore_mem>>)
      %add3A_556 = arith.constant 3 : i32
      %add3A_557 = arith.addi %mul3A_245, %add3A_556 : i32
      %mul3A_558 = arith.constant 4 : i32
      %mul3A_559 = arith.muli %add3A_557, %mul3A_558 : i32
      %add3A_560 = arith.addi %mul3A_2, %mul3A_559 : i32
      "tpu.region"() ({
        %run_scoped3A = tpu.sem_alloc : memref<!tpu.dma_semaphore, #tpu.memory_space<semaphore_mem>>
        %dma_start3A_561 = arith.constant 0 : i32
        %dma_start3A_562 = arith.constant 0 : i32
        %dma_start3A_563 = tpu.memref_slice %arg4[%add3A_560, %dma_start3A_561, %dma_start3A_562] : memref<16384x50x64xf32, #tpu.memory_space<hbm>> -> memref<4x50x64xf32, #tpu.memory_space<hbm>>
        %dma_start3A_564 = arith.constant 0 : i32
        %dma_start3A_565 = arith.constant 0 : i32
        %dma_start3A_566 = tpu.memref_slice %arg4[%add3A_560, %dma_start3A_564, %dma_start3A_565] : memref<16384x50x64xf32, #tpu.memory_space<hbm>> -> memref<4x50x64xf32, #tpu.memory_space<hbm>>
        tpu.enqueue_dma source(%arg9 : memref<4x50x64xf32, #tpu.memory_space<vmem>>) target(%dma_start3A_566 : memref<4x50x64xf32, #tpu.memory_space<hbm>>) target_semaphore(%run_scoped3A : memref<!tpu.dma_semaphore, #tpu.memory_space<semaphore_mem>>)
        %dma_wait3A_567 = arith.constant 0 : i32
        %dma_wait3A_568 = arith.constant 0 : i32
        %dma_wait3A_569 = tpu.memref_slice %arg4[%add3A_560, %dma_wait3A_567, %dma_wait3A_568] : memref<16384x50x64xf32, #tpu.memory_space<hbm>> -> memref<4x50x64xf32, #tpu.memory_space<hbm>>
        %dma_wait3A_570 = arith.constant 0 : i32
        %dma_wait3A_571 = arith.constant 0 : i32
        %dma_wait3A_572 = tpu.memref_slice %arg4[%add3A_560, %dma_wait3A_570, %dma_wait3A_571] : memref<16384x50x64xf32, #tpu.memory_space<hbm>> -> memref<4x50x64xf32, #tpu.memory_space<hbm>>
        tpu.wait_dma2 semaphore(%run_scoped3A : memref<!tpu.dma_semaphore, #tpu.memory_space<semaphore_mem>>) src(%arg9 : memref<4x50x64xf32, #tpu.memory_space<vmem>>) dst(%dma_wait3A_572 : memref<4x50x64xf32, #tpu.memory_space<hbm>>)
        tpu.yield
      }) : () -> ()
    }
    %scan3A_151 = arith.constant 31 : i32
    %dma_start3A_152 = arith.constant 508 : i32
    %dma_start3A_153 = arith.constant 0 : i32
    %dma_start3A_154 = arith.constant 0 : i32
    %dma_start3A_155 = arith.constant 0 : i32
    %dma_start3A_156 = tpu.memref_slice %arg9[%dma_start3A_153, %dma_start3A_154, %dma_start3A_155] : memref<4x50x64xf32, #tpu.memory_space<vmem>> -> memref<1x50x64xf32, #tpu.memory_space<vmem>>
    %dma_start3A_157 = tpu.memref_squeeze %dma_start3A_156 : memref<1x50x64xf32, #tpu.memory_space<vmem>> -> memref<50x64xf32, #tpu.memory_space<vmem>>
    %dma_start3A_158 = arith.constant 0 : i32
    %dma_start3A_159 = tpu.memref_slice %arg5[%dma_start3A_152, %dma_start3A_158] : memref<512x50xi32, #tpu.memory_space<vmem>> -> memref<1x50xi32, #tpu.memory_space<vmem>>
    %dma_start3A_160 = tpu.memref_squeeze %dma_start3A_159 : memref<1x50xi32, #tpu.memory_space<vmem>> -> memref<50xi32, #tpu.memory_space<vmem>>
    %dma_start3A_161 = arith.constant 0 : i32
    %dma_start3A_162 = arith.constant 0 : i32
    %dma_start3A_163 = tpu.memref_slice %arg2[%dma_start3A_161, %dma_start3A_162] : memref<1000000x64xf32, #tpu.memory_space<hbm>> -> memref<1000000x64xf32, #tpu.memory_space<hbm>>
    tpu.enqueue_indirect_dma source(%dma_start3A_163 : memref<1000000x64xf32, #tpu.memory_space<hbm>>) target(%dma_start3A_157 : memref<50x64xf32, #tpu.memory_space<vmem>>) offsets(%dma_start3A_160 : memref<50xi32, #tpu.memory_space<vmem>>) semaphore(%arg13 : memref<!tpu.dma_semaphore, #tpu.memory_space<semaphore_mem>>)
    %dma_start3A_164 = arith.constant 509 : i32
    %dma_start3A_165 = arith.constant 1 : i32
    %dma_start3A_166 = arith.constant 0 : i32
    %dma_start3A_167 = arith.constant 0 : i32
    %dma_start3A_168 = tpu.memref_slice %arg9[%dma_start3A_165, %dma_start3A_166, %dma_start3A_167] : memref<4x50x64xf32, #tpu.memory_space<vmem>> -> memref<1x50x64xf32, #tpu.memory_space<vmem>>
    %dma_start3A_169 = tpu.memref_squeeze %dma_start3A_168 : memref<1x50x64xf32, #tpu.memory_space<vmem>> -> memref<50x64xf32, #tpu.memory_space<vmem>>
    %dma_start3A_170 = arith.constant 0 : i32
    %dma_start3A_171 = tpu.memref_slice %arg5[%dma_start3A_164, %dma_start3A_170] : memref<512x50xi32, #tpu.memory_space<vmem>> -> memref<1x50xi32, #tpu.memory_space<vmem>>
    %dma_start3A_172 = tpu.memref_squeeze %dma_start3A_171 : memref<1x50xi32, #tpu.memory_space<vmem>> -> memref<50xi32, #tpu.memory_space<vmem>>
    %dma_start3A_173 = arith.constant 0 : i32
    %dma_start3A_174 = arith.constant 0 : i32
    %dma_start3A_175 = tpu.memref_slice %arg2[%dma_start3A_173, %dma_start3A_174] : memref<1000000x64xf32, #tpu.memory_space<hbm>> -> memref<1000000x64xf32, #tpu.memory_space<hbm>>
    tpu.enqueue_indirect_dma source(%dma_start3A_175 : memref<1000000x64xf32, #tpu.memory_space<hbm>>) target(%dma_start3A_169 : memref<50x64xf32, #tpu.memory_space<vmem>>) offsets(%dma_start3A_172 : memref<50xi32, #tpu.memory_space<vmem>>) semaphore(%arg13 : memref<!tpu.dma_semaphore, #tpu.memory_space<semaphore_mem>>)
    %dma_start3A_176 = arith.constant 510 : i32
    %dma_start3A_177 = arith.constant 2 : i32
    %dma_start3A_178 = arith.constant 0 : i32
    %dma_start3A_179 = arith.constant 0 : i32
    %dma_start3A_180 = tpu.memref_slice %arg9[%dma_start3A_177, %dma_start3A_178, %dma_start3A_179] : memref<4x50x64xf32, #tpu.memory_space<vmem>> -> memref<1x50x64xf32, #tpu.memory_space<vmem>>
    %dma_start3A_181 = tpu.memref_squeeze %dma_start3A_180 : memref<1x50x64xf32, #tpu.memory_space<vmem>> -> memref<50x64xf32, #tpu.memory_space<vmem>>
    %dma_start3A_182 = arith.constant 0 : i32
    %dma_start3A_183 = tpu.memref_slice %arg5[%dma_start3A_176, %dma_start3A_182] : memref<512x50xi32, #tpu.memory_space<vmem>> -> memref<1x50xi32, #tpu.memory_space<vmem>>
    %dma_start3A_184 = tpu.memref_squeeze %dma_start3A_183 : memref<1x50xi32, #tpu.memory_space<vmem>> -> memref<50xi32, #tpu.memory_space<vmem>>
    %dma_start3A_185 = arith.constant 0 : i32
    %dma_start3A_186 = arith.constant 0 : i32
    %dma_start3A_187 = tpu.memref_slice %arg2[%dma_start3A_185, %dma_start3A_186] : memref<1000000x64xf32, #tpu.memory_space<hbm>> -> memref<1000000x64xf32, #tpu.memory_space<hbm>>
    tpu.enqueue_indirect_dma source(%dma_start3A_187 : memref<1000000x64xf32, #tpu.memory_space<hbm>>) target(%dma_start3A_181 : memref<50x64xf32, #tpu.memory_space<vmem>>) offsets(%dma_start3A_184 : memref<50xi32, #tpu.memory_space<vmem>>) semaphore(%arg13 : memref<!tpu.dma_semaphore, #tpu.memory_space<semaphore_mem>>)
    %dma_start3A_188 = arith.constant 511 : i32
    %dma_start3A_189 = arith.constant 3 : i32
    %dma_start3A_190 = arith.constant 0 : i32
    %dma_start3A_191 = arith.constant 0 : i32
    %dma_start3A_192 = tpu.memref_slice %arg9[%dma_start3A_189, %dma_start3A_190, %dma_start3A_191] : memref<4x50x64xf32, #tpu.memory_space<vmem>> -> memref<1x50x64xf32, #tpu.memory_space<vmem>>
    %dma_start3A_193 = tpu.memref_squeeze %dma_start3A_192 : memref<1x50x64xf32, #tpu.memory_space<vmem>> -> memref<50x64xf32, #tpu.memory_space<vmem>>
    %dma_start3A_194 = arith.constant 0 : i32
    %dma_start3A_195 = tpu.memref_slice %arg5[%dma_start3A_188, %dma_start3A_194] : memref<512x50xi32, #tpu.memory_space<vmem>> -> memref<1x50xi32, #tpu.memory_space<vmem>>
    %dma_start3A_196 = tpu.memref_squeeze %dma_start3A_195 : memref<1x50xi32, #tpu.memory_space<vmem>> -> memref<50xi32, #tpu.memory_space<vmem>>
    %dma_start3A_197 = arith.constant 0 : i32
    %dma_start3A_198 = arith.constant 0 : i32
    %dma_start3A_199 = tpu.memref_slice %arg2[%dma_start3A_197, %dma_start3A_198] : memref<1000000x64xf32, #tpu.memory_space<hbm>> -> memref<1000000x64xf32, #tpu.memory_space<hbm>>
    tpu.enqueue_indirect_dma source(%dma_start3A_199 : memref<1000000x64xf32, #tpu.memory_space<hbm>>) target(%dma_start3A_193 : memref<50x64xf32, #tpu.memory_space<vmem>>) offsets(%dma_start3A_196 : memref<50xi32, #tpu.memory_space<vmem>>) semaphore(%arg13 : memref<!tpu.dma_semaphore, #tpu.memory_space<semaphore_mem>>)
    %dma_wait3A = arith.constant 0 : i32
    %dma_wait3A_200 = arith.constant 0 : i32
    %dma_wait3A_201 = arith.constant 0 : i32
    %dma_wait3A_202 = tpu.memref_slice %arg4[%dma_wait3A, %dma_wait3A_200, %dma_wait3A_201] : memref<16384x50x64xf32, #tpu.memory_space<hbm>> -> memref<4x50x64xf32, #tpu.memory_space<hbm>>
    %dma_wait3A_203 = arith.constant 0 : i32
    %dma_wait3A_204 = arith.constant 0 : i32
    %dma_wait3A_205 = arith.constant 0 : i32
    %dma_wait3A_206 = tpu.memref_slice %arg4[%dma_wait3A_203, %dma_wait3A_204, %dma_wait3A_205] : memref<16384x50x64xf32, #tpu.memory_space<hbm>> -> memref<4x50x64xf32, #tpu.memory_space<hbm>>
    tpu.wait_dma2 semaphore(%arg10 : memref<!tpu.dma_semaphore, #tpu.memory_space<semaphore_mem>>) src(%dma_wait3A_206 : memref<4x50x64xf32, #tpu.memory_space<hbm>>) dst(%arg6 : memref<4x50x64xf32, #tpu.memory_space<vmem>>)
    %add3A_207 = arith.constant 496 : i32
    %add3A_208 = arith.addi %mul3A_2, %add3A_207 : i32
    "tpu.region"() ({
      %run_scoped3A = tpu.sem_alloc : memref<!tpu.dma_semaphore, #tpu.memory_space<semaphore_mem>>
      %dma_start3A_239 = arith.constant 0 : i32
      %dma_start3A_240 = arith.constant 0 : i32
      %dma_start3A_241 = tpu.memref_slice %arg4[%add3A_208, %dma_start3A_239, %dma_start3A_240] : memref<16384x50x64xf32, #tpu.memory_space<hbm>> -> memref<4x50x64xf32, #tpu.memory_space<hbm>>
      %dma_start3A_242 = arith.constant 0 : i32
      %dma_start3A_243 = arith.constant 0 : i32
      %dma_start3A_244 = tpu.memref_slice %arg4[%add3A_208, %dma_start3A_242, %dma_start3A_243] : memref<16384x50x64xf32, #tpu.memory_space<hbm>> -> memref<4x50x64xf32, #tpu.memory_space<hbm>>
      tpu.enqueue_dma source(%arg6 : memref<4x50x64xf32, #tpu.memory_space<vmem>>) target(%dma_start3A_244 : memref<4x50x64xf32, #tpu.memory_space<hbm>>) target_semaphore(%run_scoped3A : memref<!tpu.dma_semaphore, #tpu.memory_space<semaphore_mem>>)
      %dma_wait3A_245 = arith.constant 0 : i32
      %dma_wait3A_246 = arith.constant 0 : i32
      %dma_wait3A_247 = tpu.memref_slice %arg4[%add3A_208, %dma_wait3A_245, %dma_wait3A_246] : memref<16384x50x64xf32, #tpu.memory_space<hbm>> -> memref<4x50x64xf32, #tpu.memory_space<hbm>>
      %dma_wait3A_248 = arith.constant 0 : i32
      %dma_wait3A_249 = arith.constant 0 : i32
      %dma_wait3A_250 = tpu.memref_slice %arg4[%add3A_208, %dma_wait3A_248, %dma_wait3A_249] : memref<16384x50x64xf32, #tpu.memory_space<hbm>> -> memref<4x50x64xf32, #tpu.memory_space<hbm>>
      tpu.wait_dma2 semaphore(%run_scoped3A : memref<!tpu.dma_semaphore, #tpu.memory_space<semaphore_mem>>) src(%arg6 : memref<4x50x64xf32, #tpu.memory_space<vmem>>) dst(%dma_wait3A_250 : memref<4x50x64xf32, #tpu.memory_space<hbm>>)
      tpu.yield
    }) : () -> ()
    %dma_wait3A_209 = arith.constant 0 : i32
    %dma_wait3A_210 = arith.constant 0 : i32
    %dma_wait3A_211 = arith.constant 0 : i32
    %dma_wait3A_212 = tpu.memref_slice %arg4[%dma_wait3A_209, %dma_wait3A_210, %dma_wait3A_211] : memref<16384x50x64xf32, #tpu.memory_space<hbm>> -> memref<4x50x64xf32, #tpu.memory_space<hbm>>
    %dma_wait3A_213 = arith.constant 0 : i32
    %dma_wait3A_214 = arith.constant 0 : i32
    %dma_wait3A_215 = arith.constant 0 : i32
    %dma_wait3A_216 = tpu.memref_slice %arg4[%dma_wait3A_213, %dma_wait3A_214, %dma_wait3A_215] : memref<16384x50x64xf32, #tpu.memory_space<hbm>> -> memref<4x50x64xf32, #tpu.memory_space<hbm>>
    tpu.wait_dma2 semaphore(%arg11 : memref<!tpu.dma_semaphore, #tpu.memory_space<semaphore_mem>>) src(%dma_wait3A_216 : memref<4x50x64xf32, #tpu.memory_space<hbm>>) dst(%arg7 : memref<4x50x64xf32, #tpu.memory_space<vmem>>)
    %add3A_217 = arith.constant 500 : i32
    %add3A_218 = arith.addi %mul3A_2, %add3A_217 : i32
    "tpu.region"() ({
      %run_scoped3A = tpu.sem_alloc : memref<!tpu.dma_semaphore, #tpu.memory_space<semaphore_mem>>
      %dma_start3A_239 = arith.constant 0 : i32
      %dma_start3A_240 = arith.constant 0 : i32
      %dma_start3A_241 = tpu.memref_slice %arg4[%add3A_218, %dma_start3A_239, %dma_start3A_240] : memref<16384x50x64xf32, #tpu.memory_space<hbm>> -> memref<4x50x64xf32, #tpu.memory_space<hbm>>
      %dma_start3A_242 = arith.constant 0 : i32
      %dma_start3A_243 = arith.constant 0 : i32
      %dma_start3A_244 = tpu.memref_slice %arg4[%add3A_218, %dma_start3A_242, %dma_start3A_243] : memref<16384x50x64xf32, #tpu.memory_space<hbm>> -> memref<4x50x64xf32, #tpu.memory_space<hbm>>
      tpu.enqueue_dma source(%arg7 : memref<4x50x64xf32, #tpu.memory_space<vmem>>) target(%dma_start3A_244 : memref<4x50x64xf32, #tpu.memory_space<hbm>>) target_semaphore(%run_scoped3A : memref<!tpu.dma_semaphore, #tpu.memory_space<semaphore_mem>>)
      %dma_wait3A_245 = arith.constant 0 : i32
      %dma_wait3A_246 = arith.constant 0 : i32
      %dma_wait3A_247 = tpu.memref_slice %arg4[%add3A_218, %dma_wait3A_245, %dma_wait3A_246] : memref<16384x50x64xf32, #tpu.memory_space<hbm>> -> memref<4x50x64xf32, #tpu.memory_space<hbm>>
      %dma_wait3A_248 = arith.constant 0 : i32
      %dma_wait3A_249 = arith.constant 0 : i32
      %dma_wait3A_250 = tpu.memref_slice %arg4[%add3A_218, %dma_wait3A_248, %dma_wait3A_249] : memref<16384x50x64xf32, #tpu.memory_space<hbm>> -> memref<4x50x64xf32, #tpu.memory_space<hbm>>
      tpu.wait_dma2 semaphore(%run_scoped3A : memref<!tpu.dma_semaphore, #tpu.memory_space<semaphore_mem>>) src(%arg7 : memref<4x50x64xf32, #tpu.memory_space<vmem>>) dst(%dma_wait3A_250 : memref<4x50x64xf32, #tpu.memory_space<hbm>>)
      tpu.yield
    }) : () -> ()
    %dma_wait3A_219 = arith.constant 0 : i32
    %dma_wait3A_220 = arith.constant 0 : i32
    %dma_wait3A_221 = arith.constant 0 : i32
    %dma_wait3A_222 = tpu.memref_slice %arg4[%dma_wait3A_219, %dma_wait3A_220, %dma_wait3A_221] : memref<16384x50x64xf32, #tpu.memory_space<hbm>> -> memref<4x50x64xf32, #tpu.memory_space<hbm>>
    %dma_wait3A_223 = arith.constant 0 : i32
    %dma_wait3A_224 = arith.constant 0 : i32
    %dma_wait3A_225 = arith.constant 0 : i32
    %dma_wait3A_226 = tpu.memref_slice %arg4[%dma_wait3A_223, %dma_wait3A_224, %dma_wait3A_225] : memref<16384x50x64xf32, #tpu.memory_space<hbm>> -> memref<4x50x64xf32, #tpu.memory_space<hbm>>
    tpu.wait_dma2 semaphore(%arg12 : memref<!tpu.dma_semaphore, #tpu.memory_space<semaphore_mem>>) src(%dma_wait3A_226 : memref<4x50x64xf32, #tpu.memory_space<hbm>>) dst(%arg8 : memref<4x50x64xf32, #tpu.memory_space<vmem>>)
    %add3A_227 = arith.constant 504 : i32
    %add3A_228 = arith.addi %mul3A_2, %add3A_227 : i32
    "tpu.region"() ({
      %run_scoped3A = tpu.sem_alloc : memref<!tpu.dma_semaphore, #tpu.memory_space<semaphore_mem>>
      %dma_start3A_239 = arith.constant 0 : i32
      %dma_start3A_240 = arith.constant 0 : i32
      %dma_start3A_241 = tpu.memref_slice %arg4[%add3A_228, %dma_start3A_239, %dma_start3A_240] : memref<16384x50x64xf32, #tpu.memory_space<hbm>> -> memref<4x50x64xf32, #tpu.memory_space<hbm>>
      %dma_start3A_242 = arith.constant 0 : i32
      %dma_start3A_243 = arith.constant 0 : i32
      %dma_start3A_244 = tpu.memref_slice %arg4[%add3A_228, %dma_start3A_242, %dma_start3A_243] : memref<16384x50x64xf32, #tpu.memory_space<hbm>> -> memref<4x50x64xf32, #tpu.memory_space<hbm>>
      tpu.enqueue_dma source(%arg8 : memref<4x50x64xf32, #tpu.memory_space<vmem>>) target(%dma_start3A_244 : memref<4x50x64xf32, #tpu.memory_space<hbm>>) target_semaphore(%run_scoped3A : memref<!tpu.dma_semaphore, #tpu.memory_space<semaphore_mem>>)
      %dma_wait3A_245 = arith.constant 0 : i32
      %dma_wait3A_246 = arith.constant 0 : i32
      %dma_wait3A_247 = tpu.memref_slice %arg4[%add3A_228, %dma_wait3A_245, %dma_wait3A_246] : memref<16384x50x64xf32, #tpu.memory_space<hbm>> -> memref<4x50x64xf32, #tpu.memory_space<hbm>>
      %dma_wait3A_248 = arith.constant 0 : i32
      %dma_wait3A_249 = arith.constant 0 : i32
      %dma_wait3A_250 = tpu.memref_slice %arg4[%add3A_228, %dma_wait3A_248, %dma_wait3A_249] : memref<16384x50x64xf32, #tpu.memory_space<hbm>> -> memref<4x50x64xf32, #tpu.memory_space<hbm>>
      tpu.wait_dma2 semaphore(%run_scoped3A : memref<!tpu.dma_semaphore, #tpu.memory_space<semaphore_mem>>) src(%arg8 : memref<4x50x64xf32, #tpu.memory_space<vmem>>) dst(%dma_wait3A_250 : memref<4x50x64xf32, #tpu.memory_space<hbm>>)
      tpu.yield
    }) : () -> ()
    %dma_wait3A_229 = arith.constant 0 : i32
    %dma_wait3A_230 = arith.constant 0 : i32
    %dma_wait3A_231 = arith.constant 0 : i32
    %dma_wait3A_232 = tpu.memref_slice %arg4[%dma_wait3A_229, %dma_wait3A_230, %dma_wait3A_231] : memref<16384x50x64xf32, #tpu.memory_space<hbm>> -> memref<4x50x64xf32, #tpu.memory_space<hbm>>
    %dma_wait3A_233 = arith.constant 0 : i32
    %dma_wait3A_234 = arith.constant 0 : i32
    %dma_wait3A_235 = arith.constant 0 : i32
    %dma_wait3A_236 = tpu.memref_slice %arg4[%dma_wait3A_233, %dma_wait3A_234, %dma_wait3A_235] : memref<16384x50x64xf32, #tpu.memory_space<hbm>> -> memref<4x50x64xf32, #tpu.memory_space<hbm>>
    tpu.wait_dma2 semaphore(%arg13 : memref<!tpu.dma_semaphore, #tpu.memory_space<semaphore_mem>>) src(%dma_wait3A_236 : memref<4x50x64xf32, #tpu.memory_space<hbm>>) dst(%arg9 : memref<4x50x64xf32, #tpu.memory_space<vmem>>)
    %add3A_237 = arith.constant 508 : i32
    %add3A_238 = arith.addi %mul3A_2, %add3A_237 : i32
    "tpu.region"() ({
      %run_scoped3A = tpu.sem_alloc : memref<!tpu.dma_semaphore, #tpu.memory_space<semaphore_mem>>
      %dma_start3A_239 = arith.constant 0 : i32
      %dma_start3A_240 = arith.constant 0 : i32
      %dma_start3A_241 = tpu.memref_slice %arg4[%add3A_238, %dma_start3A_239, %dma_start3A_240] : memref<16384x50x64xf32, #tpu.memory_space<hbm>> -> memref<4x50x64xf32, #tpu.memory_space<hbm>>
      %dma_start3A_242 = arith.constant 0 : i32
      %dma_start3A_243 = arith.constant 0 : i32
      %dma_start3A_244 = tpu.memref_slice %arg4[%add3A_238, %dma_start3A_242, %dma_start3A_243] : memref<16384x50x64xf32, #tpu.memory_space<hbm>> -> memref<4x50x64xf32, #tpu.memory_space<hbm>>
      tpu.enqueue_dma source(%arg9 : memref<4x50x64xf32, #tpu.memory_space<vmem>>) target(%dma_start3A_244 : memref<4x50x64xf32, #tpu.memory_space<hbm>>) target_semaphore(%run_scoped3A : memref<!tpu.dma_semaphore, #tpu.memory_space<semaphore_mem>>)
      %dma_wait3A_245 = arith.constant 0 : i32
      %dma_wait3A_246 = arith.constant 0 : i32
      %dma_wait3A_247 = tpu.memref_slice %arg4[%add3A_238, %dma_wait3A_245, %dma_wait3A_246] : memref<16384x50x64xf32, #tpu.memory_space<hbm>> -> memref<4x50x64xf32, #tpu.memory_space<hbm>>
      %dma_wait3A_248 = arith.constant 0 : i32
      %dma_wait3A_249 = arith.constant 0 : i32
      %dma_wait3A_250 = tpu.memref_slice %arg4[%add3A_238, %dma_wait3A_248, %dma_wait3A_249] : memref<16384x50x64xf32, #tpu.memory_space<hbm>> -> memref<4x50x64xf32, #tpu.memory_space<hbm>>
      tpu.wait_dma2 semaphore(%run_scoped3A : memref<!tpu.dma_semaphore, #tpu.memory_space<semaphore_mem>>) src(%arg9 : memref<4x50x64xf32, #tpu.memory_space<vmem>>) dst(%dma_wait3A_250 : memref<4x50x64xf32, #tpu.memory_space<hbm>>)
      tpu.yield
    }) : () -> ()
    return
  }
}

</mosaic_0001>

<sc_bundles>
// kernel: kernel.3.cloned.1.call-start
scs
__scs_entry_jumppad:
0x0: {  	(pc) =	sbr.rel $0x88, $3  }
0x1: {  	(tag) =	ssettag $0x0;
	lr =	simm.s32 $0x1  }
0x2: {  	[smem:$0x3F9F] =	sst lr;
	_ =	strace $0xD0000000  }
0x3: {  	_ = 	snop  }
0x4: {  	_ = 	snop  }
0x5: {  	_ = 	snop  }
0x6: {  	_ = 	snop  }
0x7: {  	_ = 	snop  }
__scs_overlays_trampoline_lowered:
0x8: {  	[smem:$0x3FAE] =	sst s0  }
0x9: {  	[smem:$0x3FAF] =	sst s1  }
0xa: {  	[smem:$0x3FB0] =	sst s2  }
0xb: {  	[smem:$0x3FB1] =	sst s3  }
0xc: {  	[smem:$0x3FB2] =	sst s4  }
0xd: {  	[smem:$0x3FB3] =	sst s5  }
0xe: {  	[smem:$0x3FB4] =	sst s6  }
0xf: {  	[smem:$0x3FB5] =	sst s7  }
0x10: {  	[smem:$0x3FB6] =	sst s8  }
0x11: {  	[smem:$0x3FB7] =	sst s9;
	s0 =	simm.s32 @!p0 $0x0  }
0x12: {  	s1 =	sld [smem:$0x3F9D];
	s0 =	simm.s32 @p0 $0x1  }
0x13: {  	[smem:$0x3FB8] =	sst s0;
	s0 =	simm.s32 @!p1 $0x0  }
0x14: {  	s2 =	sld [smem:$0x3F9C];
	s0 =	simm.s32 @p1 $0x1  }
0x15: {  	[smem:$0x3FB9] =	sst s0;
	s0 =	simm.s32 @!p2 $0x0  }
0x16: {  	s3 =	sld [smem:$0x3FDB];
	s0 =	simm.s32 @p2 $0x1  }
0x17: {  	s4 =	simm.s32 $0x1BF5;
	[smem:$0x3FBB] =	sst s0  }
0x18: {  	s0 =	sld [smem:$0x3F9E];
	_ =	swait.ge [sflag:s4], $0x0  }
0x19: {  	s7 =	sld [smem:$0x3F9F]  }
0x1a: {  	s8 =	sadd.s32 $0xFFFFE003, lr  }
0x1b: {  	s9 =	sadd.s32 $0xFFFFFEF7, lr;
	s5 =	simm.s32 $0xFFFFFFFF;
	p2 =	slt.u32 s8, $0xFFFFF086  }
0x1c: {  	p1 =	slt.u32 s9, $0xF7A;
	s5 =	simm.s32 @!p2 $0x0  }
0x1d: {  	s5 =	simm.s32 @p1 $0x1;
	p0 =	seq.s32 s7, s2  }
0x1e: {  	s7 =	smul.u32 @!p0 $0xF7A, s2;
	p2 =	seq.s32 @!p0 s5, $0x0  }
0x1f: {  	s9 =	smul.u32 $0xF7A, s1;
	s8 =	simm.s32 @!p0 $0x1BF5;
	p2 =	por !p2, p0  }
0x20: {  	[sflag:s8] =	ssyncset.s32 @!p0 $0xFFFFF086;
	s6 =	sadd.s32 @!p0 s3, s7;
	s7 =	simm.s32 @!p0 $0x108  }
0x21: {  	s3 =	sadd.s32 s3, s9;
	s6 =	sadd.s32 @!p0 $0x88, s6;
	s7 =	simm.s32 @p2 $0x1082  }
0x22: {  	[simem:s7], [sflag:s8] =	dma.local @!p0 [hbm:s6], $0xF7A  }
0x23: {  	s9 =	sor.u32 $0xD0000000, s2;
	s6 =	simm.s32 $0x108;
	_ =	swait.ge @!p0 [sflag:s8], $0x0  }
0x24: {  	s3 =	sadd.s32 $0x88, s3;
	s6 =	simm.s32 @!p1 $0x1082;
	[sflag:s4] =	ssyncset.s32 $0xFFFFF086  }
0x25: {  	[simem:s6], [sflag:s4] =	dma.local [hbm:s3], $0xF7A  }
0x26: {  	[smem:$0x3F9F] =	sst s1;
	(tag) =	ssettag s2;
	_ =	strace s9  }
0x27: {  	s1 =	sld [smem:$0x3FAF]  }
0x28: {  	s2 =	sld [smem:$0x3FB0]  }
0x29: {  	s4 =	sld [smem:$0x3FB2]  }
0x2a: {  	p0 =	seq.s32 s5, $0x0;
	s5 =	sld [smem:$0x3FB3]  }
0x2b: {  	s6 =	sld [smem:$0x3FB4]  }
0x2c: {  	s7 =	sld [smem:$0x3FB5]  }
0x2d: {  	s3 =	simm.s32 $0x108;
	s8 =	sld [smem:$0x3FB6]  }
0x2e: {  	s3 =	simm.s32 @!p0 $0x1082;
	s9 =	sld [smem:$0x3FB7]  }
0x2f: {  	lr =	sadd.s32 s0, s3;
	s0 =	sld [smem:$0x3FAE]  }
0x30: {  	s3 =	sld [smem:$0x3FB1]  }
0x31: {  	[smem:$0x3FBA] =	sst s10  }
0x32: {  	s10 =	sld [smem:$0x3FB8];
	_ =	sdelay $0x3  }
0x33: {  	p0 =	seq.s32 s10, $0x1;
	s10 =	sld [smem:$0x3FBA];
	_ =	sdelay $0x3  }
0x34: {  	[smem:$0x3FBA] =	sst s10  }
0x35: {  	s10 =	sld [smem:$0x3FB9];
	_ =	sdelay $0x3  }
0x36: {  	p1 =	seq.s32 s10, $0x1;
	s10 =	sld [smem:$0x3FBA];
	_ =	sdelay $0x3  }
0x37: {  	[smem:$0x3FBA] =	sst s10  }
0x38: {  	s10 =	sld [smem:$0x3FBB]  }
0x39: {  	_ = 	snop;
	(pc) =	sbr.ind lr, $3  }
0x3a: {  	_ = 	snop  }
0x3b: {  	_ = 	snop  }
0x3c: {  	p2 =	seq.s32 s10, $0x1;
	s10 =	sld [smem:$0x3FBA]  }
0x3d: {  	_ =	shalt  }
0x3e: {  	_ =	shalt  }
0x3f: {  	_ =	shalt  }
0x40: {  	_ =	shalt  }
0x41: {  	_ =	shalt  }
0x42: {  	_ =	shalt  }
0x43: {  	_ =	shalt  }
0x44: {  	_ =	shalt  }
0x45: {  	_ =	shalt  }
0x46: {  	_ =	shalt  }
0x47: {  	_ =	shalt  }
0x48: {  	_ =	shalt  }
0x49: {  	_ =	shalt  }
0x4a: {  	_ =	shalt  }
0x4b: {  	_ =	shalt  }
0x4c: {  	_ =	shalt  }
0x4d: {  	_ =	shalt  }
0x4e: {  	_ =	shalt  }
0x4f: {  	_ =	shalt  }
0x50: {  	_ =	shalt  }
0x51: {  	_ =	shalt  }
0x52: {  	_ =	shalt  }
0x53: {  	_ =	shalt  }
0x54: {  	_ =	shalt  }
0x55: {  	_ =	shalt  }
0x56: {  	_ =	shalt  }
0x57: {  	_ =	shalt  }
0x58: {  	_ =	shalt  }
0x59: {  	_ =	shalt  }
0x5a: {  	_ =	shalt  }
0x5b: {  	_ =	shalt  }
0x5c: {  	_ =	shalt  }
0x5d: {  	_ =	shalt  }
0x5e: {  	_ =	shalt  }
0x5f: {  	_ =	shalt  }
0x60: {  	_ =	shalt  }
0x61: {  	_ =	shalt  }
0x62: {  	_ =	shalt  }
0x63: {  	_ =	shalt  }
0x64: {  	_ =	shalt  }
0x65: {  	_ =	shalt  }
0x66: {  	_ =	shalt  }
0x67: {  	_ =	shalt  }
0x68: {  	_ =	shalt  }
0x69: {  	_ =	shalt  }
0x6a: {  	_ =	shalt  }
0x6b: {  	_ =	shalt  }
0x6c: {  	_ =	shalt  }
0x6d: {  	_ =	shalt  }
0x6e: {  	_ =	shalt  }
0x6f: {  	_ =	shalt  }
0x70: {  	_ =	shalt  }
0x71: {  	_ =	shalt  }
0x72: {  	_ =	shalt  }
0x73: {  	_ =	shalt  }
0x74: {  	_ =	shalt  }
0x75: {  	_ =	shalt  }
0x76: {  	_ =	shalt  }
0x77: {  	_ =	shalt  }
0x78: {  	_ =	shalt  }
0x79: {  	_ =	shalt  }
0x7a: {  	_ =	shalt  }
0x7b: {  	_ =	shalt  }
0x7c: {  	_ =	shalt  }
0x7d: {  	_ =	shalt  }
0x7e: {  	_ =	shalt  }
0x7f: {  	_ =	shalt  }
0x80: {  	_ =	shalt  }
0x81: {  	_ =	shalt  }
0x82: {  	_ =	shalt  }
0x83: {  	_ =	shalt  }
0x84: {  	_ =	shalt  }
0x85: {  	_ =	shalt  }
0x86: {  	_ =	shalt  }
0x87: {  	_ =	shalt  }
.Lfunc_end0:
.L_simem_size_0:
called_computation.1_lowered:
.L_overlay_start_0:
0x88: {  	s2 =	sld [smem:$0x3FD9]  }
0x89: {  	s3 =	sld [smem:$0x3FFE];
	_ =	sdelay $0x1  }
0x8a: {  	s1 =	srdreg.scid  }
0x8b: {  	s0 =	sand.u32 $0x1, s1  }
0x8c: {  	s17 =	sshll.u32 s0, $0xA;
	s2 =	sadd.s32 s3, s2  }
0x8d: {  	s2 =	sadd.s32 s2, s17  }
0x8e: {  	[smem:$0x3FC6] =	sst s2  }
0x8f: {  	_ = 	snop  }
0x90: {  	s2 =	sld [smem:$0x3FD0];
	(tm) =	ssettm $0x1  }
0x91: {  	s18 =	sld [smem:$0x3FFB];
	_ =	sdelay $0x3  }
0x92: {  	_ =	strace s18  }
0x93: {  	s3 =	sld [smem:$0x3FFC];
	_ =	sdelay $0x3  }
0x94: {  	_ =	strace s3  }
0x95: {  	s3 =	sld [smem:$0x3FFD];
	_ =	sdelay $0x3  }
0x96: {  	_ =	strace s3  }
0x97: {  	_ =	strace $0x8FFFFFFF  }
0x98: {  	s19 =	sld [smem:$0x3FDB];
	_ =	sdelay $0x1  }
0x99: {  	s4 =	simm.s32 $_scs_section_size  }
0x9a: {  	s5 =	simm.s32 $_size__tile_overlayer_lowered;
	s6 =	simm.s32 $_tile_overlayer_lowered  }
0x9b: {  	s22 =	simm.s32 $0x1BFF;
	s21 =	sshll.u32 s6, $0x1;
	s3 =	sadd.s32 s4, s19  }
0x9c: {  	s7 =	simm.s32 $0x0;
	s20 =	sshll.u32 s5, $0x1;
	s5 =	sadd.s32 s21, s3  }
0x9d: {  	[timem:s7], [sflag:s22] =	dma.local [hbm:s5], s20  }
0x9e: {  	_ =	swait.ge [sflag:s22], s20  }
0x9f: {  	s4 =	ssub.s32 $0x0, s20;
	[sflag:s22] =	ssyncset.done $0x0  }
0xa0: {  	[sflag:s22] =	ssyncadd.s32 s4;
	_ =	sdelay $0x1  }
0xa1: {  	s23 =	simm.s32 $0x1B8B  }
0xa2: {  	_ =	swait.ge [sflag:s23], $0x1  }
0xa3: {  	[sflag:s23] =	ssyncset.done $0x0  }
0xa4: {  	s25 =	simm.s32 $0x1B8E;
	s24 =	sld [smem:$0x3FFE];
	[sflag:s23] =	ssyncadd.s32 $0xFFFFFFFF  }
0xa5: {  	s26 =	simm.s32 $execute0_lowered;
	[smem:$0x3FD2] =	sst s25  }
0xa6: {  	s5 =	sshll.u32 s26, $0x1;
	_ =	strace $0x80000046;
	[dreg:$0x1] =	wrdreg $0xFFFFFFFF  }
0xa7: {  	s28 =	simm.s32 $_size_execute0_lowered;
	s3 =	sadd.s32 s3, s5;
	[dreg:$0x0] =	wrdreg $0x0  }
0xa8: {  	s5 =	sshll.u32 s28, $0x1;
	[dreg:$0x2] =	wrdreg s3  }
0xa9: {  	[dreg:$0x3] =	wrdreg s5  }
0xaa: {  	[dreg:$0x4] =	wrdreg $0xC0  }
0xab: {  	_ =	task [dreg:s7], $0x5FFFF  }
0xac: {  	[dreg:$0x1] =	wrdreg $0xFFFFFFFF  }
0xad: {  	[dreg:$0x0] =	wrdreg $0x60  }
0xae: {  	[dreg:$0x2] =	wrdreg s24  }
0xaf: {  	[dreg:$0x3] =	wrdreg s2  }
0xb0: {  	[dreg:$0x4] =	wrdreg $0x9  }
0xb1: {  	_ =	task.clear_ibuf [dreg:s7], $0x5FFFF;
	_ =	strace $0x90000046  }
0xb2: {  	s29 =	simm.s32 $0x9;
	_ =	strace $0x80000048  }
0xb3: {  	_ =	swait.ge [sflag:s29], $0x1  }
0xb4: {  	[sflag:s29] =	ssyncadd.s32 $0xFFFFFFFF  }
0xb5: {  	_ =	strace $0x90000048  }
0xb6: {  	_ =	sfence  }
0xb7: {  	s30 =	sld [smem:$0x0];
	_ =	sdelay $0x2  }
0xb8: {  	s31 =	sshll.u32 s1, $0xD;
	s1 =	sshrl.u32 s1, $0x2  }
0xb9: {  	s3 =	sand.u32 $0x4000, s31;
	s1 =	sadd.s32 s1, s30  }
0xba: {  	s0 =	sor.u32 s3, s0;
	s1 =	sshll.u32 s1, $0x11  }
0xbb: {  	s0 =	sor.u32 s1, s0  }
0xbc: {  	s0 =	sadd.s32 $0x8F2B, s0  }
0xbd: {  	[sflag:s0] =	ssyncadd.remote.s32 $0x1  }
0xbe: {  	_ =	sfence.sel $0xFFFF  }
0xbf: {  	[dreg:$0x0] =	wrdreg $0xFFFFFFFF;
	(pc) =	sbr.abs _section_cstart, $3  }
0xc0: {  	[dreg:$0x1] =	wrdreg $0xFFFFFFFF  }
0xc1: {  	_ =	task.clear_ibuf [dreg:s7], $0x2FFFF;
	_ =	strace $0x9FFFFFFF  }
0xc2: {  	(tm) =	ssettm $0x7FFFFFFF  }
0xc3: {  	_ =	shalt  }
tec
execute0_lowered:
.L_overlay_start_1:
0x0: {  	(tag) =	ssettag $0x1  }
0x1: {  	s0 =	srdreg.scid;
	s1 =	rddreg [dreg:$0x0]  }
0x2: {  	s9 =	stileid.u32;
	s4 =	rddreg [dreg:$0x1]  }
0x3: {  	s2 =	simm.s32 $0x0;
	s11 =	simm.s32 $0x5;
	s12 =	simm.s32 $0x32  }
0x4: {  	s13 =	simm.s32 $0x7000;
	s15 =	simm.s32 $0x7C80;
	s17 =	simm.s32 $0x8900  }
0x5: {  	s19 =	simm.s32 $0x9580;
	s21 =	simm.s32 $0xA200;
	s28 =	simm.s32 $0xC780  }
0x6: {  	s30 =	simm.s32 $0xD400;
	s14 =	simm.s32 $0xED00;
	s0 =	sand.u32 $0x1, s0  }
0x7: {  	s18 =	simm.s32 $0xF980;
	s3 =	sshll.u32 s9, $0xA;
	s5 =	sshll.u32 s0, $0x9  }
0x8: {  	s20 =	simm.s32 $0x1;
	s24 =	smul.u32 $0x64000, s9;
	s3 =	sor.u32 s5, s3  }
0x9: {  	s29 =	simm.s32 $0x12B80;
	s31 =	simm.s32 $0x2;
	s5 =	smul.u32 $0xC80, s3  }
0xa: {  	s16 =	simm.s32 $0x4;
	[smem:$0x7FF] =	sst s2;
	s6 =	smul.u32 $0x7, s3  }
0xb: {  	_ =	strace $0x80000047;
	s7 =	ssub.s32 $0x2, s0;
	s0 =	smul.u32 $0x32000, s0  }
0xc: {  	s3 =	sadd.s32 $0xF42E00, s1;
	s5 =	sshrl.u32 s5, $0x3;
	s1 =	sadd.s32 s6, s1  }
0xd: {  	s8 =	sshrl.u32 s7, $0x1;
	s5 =	sadd.s32 s4, s5;
	s1 =	sadd.s32 $0xA00, s1  }
0xe: {  	s22 =	ssub.s32 s7, s8;
	[dreg:$0x3] =	wrdreg s1;
	s23 =	sadd.s32 $0x30700, s5  }
0xf: {  	s9 =	smax.u32 s22, $0x1;
	s25 =	sadd.s32 $0x30D40, s5;
	[dreg:$0x4] =	wrdreg s23  }
0x10: {  	s22 =	simm.s32 $0x10600;
	s26 =	sadd.s32 $0x31380, s5;
	[dreg:$0x5] =	wrdreg s25  }
0x11: {  	s5 =	sadd.s32 $0x319C0, s5;
	s1 =	sadd.s32 s24, s4;
	[dreg:$0x6] =	wrdreg s26  }
0x12: {  	s24 =	simm.s32 $0x11280;
	s4 =	simm.s32 $0x0;
	[dreg:$0x7] =	wrdreg s5  }
0x13: {  	s6 =	sadd.s32 s0, s1;
	s23 =	simm.s32 $0xAE80;
	s25 =	simm.s32 $0xBB00  }
0x14: {  	s1 =	simm.s32 $0xE080;
	s26 =	simm.s32 $0x11F00;
	s0 =	simm.s32 $0x3  }
.LBB2_1:
0x15: {  	s5 =	rddreg [dreg:$0x3]  }
0x16: {  	[tilespmem:s2], [sflag:$0x5] =	stream.linear.gather [hbm4b:s5+s2], $0x7000, $0x38;
	[tilespmem:$0x13800] =	vst v63  }
0x17: {  	_ =	swait.ge [sflag:s11], $0x7000  }
0x18: {  	[sflag:s11] =	ssyncset.done $0x0  }
0x19: {  	[sflag:s11] =	ssyncadd.s32 $0xFFFF9000  }
0x1a: {  	[tilespmem:s13], [sflag:$0x1] =	stream.indirect.gather [hbm4b:s3+s12], $0x40, s2, s12, $0xb8;
	[tilespmem:$0x13800] =	vst v63  }
0x1b: {  	s7 =	simm.s32 $0x38  }
0x1c: {  	[tilespmem:s15], [sflag:$0x1] =	stream.indirect.gather [hbm4b:s3+s12], $0x40, s7, s12, $0xb8;
	[tilespmem:$0x13800] =	vst v63  }
0x1d: {  	s8 =	simm.s32 $0x70  }
0x1e: {  	[tilespmem:s17], [sflag:$0x1] =	stream.indirect.gather [hbm4b:s3+s12], $0x40, s8, s12, $0xb8;
	[tilespmem:$0x13800] =	vst v63  }
0x1f: {  	s10 =	simm.s32 $0xA8  }
0x20: {  	[tilespmem:s19], [sflag:$0x1] =	stream.indirect.gather [hbm4b:s3+s12], $0x40, s10, s12, $0xb8;
	[tilespmem:$0x13800] =	vst v63  }
0x21: {  	s7 =	simm.s32 $0xE0  }
0x22: {  	[tilespmem:s21], [sflag:$0x2] =	stream.indirect.gather [hbm4b:s3+s12], $0x40, s7, s12, $0xb8;
	[tilespmem:$0x13800] =	vst v63  }
0x23: {  	s8 =	simm.s32 $0x118  }
0x24: {  	[tilespmem:s23], [sflag:$0x2] =	stream.indirect.gather [hbm4b:s3+s12], $0x40, s8, s12, $0xb8;
	[tilespmem:$0x13800] =	vst v63  }
0x25: {  	s10 =	simm.s32 $0x150  }
0x26: {  	[tilespmem:s25], [sflag:$0x2] =	stream.indirect.gather [hbm4b:s3+s12], $0x40, s10, s12, $0xb8;
	[tilespmem:$0x13800] =	vst v63  }
0x27: {  	s7 =	simm.s32 $0x188  }
0x28: {  	[tilespmem:s28], [sflag:$0x2] =	stream.indirect.gather [hbm4b:s3+s12], $0x40, s7, s12, $0xb8;
	[tilespmem:$0x13800] =	vst v63  }
0x29: {  	s8 =	simm.s32 $0x1C0  }
0x2a: {  	[tilespmem:s30], [sflag:$0x3] =	stream.indirect.gather [hbm4b:s3+s12], $0x40, s8, s12, $0xb8;
	[tilespmem:$0x13800] =	vst v63  }
0x2b: {  	s10 =	simm.s32 $0x1F8  }
0x2c: {  	[tilespmem:s1], [sflag:$0x3] =	stream.indirect.gather [hbm4b:s3+s12], $0x40, s10, s12, $0xb8;
	[tilespmem:$0x13800] =	vst v63  }
0x2d: {  	s7 =	simm.s32 $0x230  }
0x2e: {  	[tilespmem:s14], [sflag:$0x3] =	stream.indirect.gather [hbm4b:s3+s12], $0x40, s7, s12, $0xb8;
	[tilespmem:$0x13800] =	vst v63  }
0x2f: {  	s8 =	simm.s32 $0x268  }
0x30: {  	[tilespmem:s18], [sflag:$0x3] =	stream.indirect.gather [hbm4b:s3+s12], $0x40, s8, s12, $0xb8;
	[tilespmem:$0x13800] =	vst v63  }
0x31: {  	_ =	swait.ge [sflag:s20], $0x3200  }
0x32: {  	[sflag:s20] =	ssyncset.done $0x0  }
0x33: {  	s10 =	simm.s32 $0x2A0;
	[sflag:s20] =	ssyncadd.s32 $0xFFFFCE00  }
0x34: {  	[tilespmem:s22], [sflag:$0x4] =	stream.indirect.gather [hbm4b:s3+s12], $0x40, s10, s12, $0xb8;
	[tilespmem:$0x13800] =	vst v63  }
0x35: {  	s7 =	simm.s32 $0x2D8  }
0x36: {  	[tilespmem:s24], [sflag:$0x4] =	stream.indirect.gather [hbm4b:s3+s12], $0x40, s7, s12, $0xb8;
	[tilespmem:$0x13800] =	vst v63  }
0x37: {  	s8 =	simm.s32 $0x310  }
0x38: {  	[tilespmem:s26], [sflag:$0x4] =	stream.indirect.gather [hbm4b:s3+s12], $0x40, s8, s12, $0xb8;
	[tilespmem:$0x13800] =	vst v63  }
0x39: {  	s10 =	simm.s32 $0x348  }
0x3a: {  	[tilespmem:s29], [sflag:$0x4] =	stream.indirect.gather [hbm4b:s3+s12], $0x40, s10, s12, $0xb8;
	[tilespmem:$0x13800] =	vst v63  }
0x3b: {  	_ = 	snop  }
0x3c: {  	[hbm4b:s6+s2] =	stream.linear.scatter [tilespmem:s13], [sflag:$0x5], $0x3200, $0x38;
	[tilespmem:$0x13800] =	vst v63  }
0x3d: {  	_ =	swait.ge [sflag:s11], $0x3200  }
0x3e: {  	[sflag:s11] =	ssyncset.done $0x0  }
0x3f: {  	[sflag:s11] =	ssyncadd.s32 $0xFFFFCE00  }
0x40: {  	_ =	swait.ge [sflag:s31], $0x3200  }
0x41: {  	[sflag:s31] =	ssyncset.done $0x0  }
0x42: {  	s7 =	simm.s32 $0x380;
	[sflag:s31] =	ssyncadd.s32 $0xFFFFCE00  }
0x43: {  	[tilespmem:s13], [sflag:$0x1] =	stream.indirect.gather [hbm4b:s3+s12], $0x40, s7, s12, $0xb8;
	[tilespmem:$0x13800] =	vst v63  }
0x44: {  	s8 =	simm.s32 $0x3B8  }
0x45: {  	[tilespmem:s15], [sflag:$0x1] =	stream.indirect.gather [hbm4b:s3+s12], $0x40, s8, s12, $0xb8;
	[tilespmem:$0x13800] =	vst v63  }
0x46: {  	s10 =	simm.s32 $0x3F0  }
0x47: {  	[tilespmem:s17], [sflag:$0x1] =	stream.indirect.gather [hbm4b:s3+s12], $0x40, s10, s12, $0xb8;
	[tilespmem:$0x13800] =	vst v63  }
0x48: {  	s7 =	simm.s32 $0x428  }
0x49: {  	[tilespmem:s19], [sflag:$0x1] =	stream.indirect.gather [hbm4b:s3+s12], $0x40, s7, s12, $0xb8;
	[tilespmem:$0x13800] =	vst v63  }
0x4a: {  	s8 =	sadd.s32 $0x640, s6  }
0x4b: {  	[hbm4b:s8+s2] =	stream.linear.scatter [tilespmem:s21], [sflag:$0x5], $0x3200, $0x38;
	[tilespmem:$0x13800] =	vst v63  }
0x4c: {  	_ =	swait.ge [sflag:s11], $0x3200  }
0x4d: {  	[sflag:s11] =	ssyncset.done $0x0  }
0x4e: {  	[sflag:s11] =	ssyncadd.s32 $0xFFFFCE00  }
0x4f: {  	_ =	swait.ge [sflag:s0], $0x3200  }
0x50: {  	[sflag:s0] =	ssyncset.done $0x0  }
0x51: {  	s10 =	simm.s32 $0x460;
	[sflag:s0] =	ssyncadd.s32 $0xFFFFCE00  }
0x52: {  	[tilespmem:s21], [sflag:$0x2] =	stream.indirect.gather [hbm4b:s3+s12], $0x40, s10, s12, $0xb8;
	[tilespmem:$0x13800] =	vst v63  }
0x53: {  	s7 =	simm.s32 $0x498  }
0x54: {  	[tilespmem:s23], [sflag:$0x2] =	stream.indirect.gather [hbm4b:s3+s12], $0x40, s7, s12, $0xb8;
	[tilespmem:$0x13800] =	vst v63  }
0x55: {  	s8 =	simm.s32 $0x4D0  }
0x56: {  	[tilespmem:s25], [sflag:$0x2] =	stream.indirect.gather [hbm4b:s3+s12], $0x40, s8, s12, $0xb8;
	[tilespmem:$0x13800] =	vst v63  }
0x57: {  	s10 =	simm.s32 $0x508  }
0x58: {  	[tilespmem:s28], [sflag:$0x2] =	stream.indirect.gather [hbm4b:s3+s12], $0x40, s10, s12, $0xb8;
	[tilespmem:$0x13800] =	vst v63  }
0x59: {  	s7 =	sadd.s32 $0xC80, s6  }
0x5a: {  	[hbm4b:s7+s2] =	stream.linear.scatter [tilespmem:s30], [sflag:$0x5], $0x3200, $0x38;
	[tilespmem:$0x13800] =	vst v63  }
0x5b: {  	_ =	swait.ge [sflag:s11], $0x3200  }
0x5c: {  	[sflag:s11] =	ssyncset.done $0x0  }
0x5d: {  	[sflag:s11] =	ssyncadd.s32 $0xFFFFCE00  }
0x5e: {  	_ =	swait.ge [sflag:s16], $0x3200  }
0x5f: {  	[sflag:s16] =	ssyncset.done $0x0  }
0x60: {  	s8 =	simm.s32 $0x540;
	[sflag:s16] =	ssyncadd.s32 $0xFFFFCE00  }
0x61: {  	[tilespmem:s30], [sflag:$0x3] =	stream.indirect.gather [hbm4b:s3+s12], $0x40, s8, s12, $0xb8;
	[tilespmem:$0x13800] =	vst v63  }
0x62: {  	s10 =	simm.s32 $0x578  }
0x63: {  	[tilespmem:s1], [sflag:$0x3] =	stream.indirect.gather [hbm4b:s3+s12], $0x40, s10, s12, $0xb8;
	[tilespmem:$0x13800] =	vst v63  }
0x64: {  	s7 =	simm.s32 $0x5B0  }
0x65: {  	[tilespmem:s14], [sflag:$0x3] =	stream.indirect.gather [hbm4b:s3+s12], $0x40, s7, s12, $0xb8;
	[tilespmem:$0x13800] =	vst v63  }
0x66: {  	s8 =	simm.s32 $0x5E8  }
0x67: {  	[tilespmem:s18], [sflag:$0x3] =	stream.indirect.gather [hbm4b:s3+s12], $0x40, s8, s12, $0xb8;
	[tilespmem:$0x13800] =	vst v63  }
0x68: {  	s10 =	sadd.s32 $0x12C0, s6  }
0x69: {  	[hbm4b:s10+s2] =	stream.linear.scatter [tilespmem:s22], [sflag:$0x5], $0x3200, $0x38;
	[tilespmem:$0x13800] =	vst v63  }
0x6a: {  	_ =	swait.ge [sflag:s11], $0x3200  }
0x6b: {  	s5 =	simm.s32 $0xE00;
	s10 =	smov.u32 s6;
	[sflag:s11] =	ssyncset.done $0x0  }
.LBB2_2:
0x6c: {  	p0 =	sne.s32 s5, $0x1A400;
	[sflag:s11] =	ssyncadd.s32 $0xFFFFCE00;
	s10 =	sadd.s32 $0x1900, s10  }
0x6d: {  	s7 =	smov.u32 s5;
	s5 =	sadd.s32 $0xE00, s5  }
0x6e: {  	_ =	swait.ge [sflag:s20], $0x3200  }
0x6f: {  	s7 =	sshra.s32 s7, $0x2;
	[sflag:s20] =	ssyncset.done $0x0  }
0x70: {  	s8 =	sadd.s32 $0x2A0, s7;
	[sflag:s20] =	ssyncadd.s32 $0xFFFFCE00  }
0x71: {  	[tilespmem:s22], [sflag:$0x4] =	stream.indirect.gather [hbm4b:s3+s12], $0x40, s8, s12, $0xb8;
	[tilespmem:$0x13800] =	vst v63  }
0x72: {  	s8 =	sadd.s32 $0x2D8, s7  }
0x73: {  	[tilespmem:s24], [sflag:$0x4] =	stream.indirect.gather [hbm4b:s3+s12], $0x40, s8, s12, $0xb8;
	[tilespmem:$0x13800] =	vst v63  }
0x74: {  	s8 =	sadd.s32 $0x310, s7  }
0x75: {  	[tilespmem:s26], [sflag:$0x4] =	stream.indirect.gather [hbm4b:s3+s12], $0x40, s8, s12, $0xb8;
	[tilespmem:$0x13800] =	vst v63  }
0x76: {  	s8 =	sadd.s32 $0x348, s7  }
0x77: {  	[tilespmem:s29], [sflag:$0x4] =	stream.indirect.gather [hbm4b:s3+s12], $0x40, s8, s12, $0xb8;
	[tilespmem:$0x13800] =	vst v63  }
0x78: {  	_ = 	snop  }
0x79: {  	[hbm4b:s10+s2] =	stream.linear.scatter [tilespmem:s13], [sflag:$0x5], $0x3200, $0x38;
	[tilespmem:$0x13800] =	vst v63  }
0x7a: {  	_ =	swait.ge [sflag:s11], $0x3200  }
0x7b: {  	[sflag:s11] =	ssyncset.done $0x0  }
0x7c: {  	[sflag:s11] =	ssyncadd.s32 $0xFFFFCE00  }
0x7d: {  	_ =	swait.ge [sflag:s31], $0x3200  }
0x7e: {  	[sflag:s31] =	ssyncset.done $0x0  }
0x7f: {  	s8 =	sadd.s32 $0x380, s7;
	[sflag:s31] =	ssyncadd.s32 $0xFFFFCE00  }
0x80: {  	[tilespmem:s13], [sflag:$0x1] =	stream.indirect.gather [hbm4b:s3+s12], $0x40, s8, s12, $0xb8;
	[tilespmem:$0x13800] =	vst v63  }
0x81: {  	s8 =	sadd.s32 $0x3B8, s7  }
0x82: {  	[tilespmem:s15], [sflag:$0x1] =	stream.indirect.gather [hbm4b:s3+s12], $0x40, s8, s12, $0xb8;
	[tilespmem:$0x13800] =	vst v63  }
0x83: {  	s8 =	sadd.s32 $0x3F0, s7  }
0x84: {  	[tilespmem:s17], [sflag:$0x1] =	stream.indirect.gather [hbm4b:s3+s12], $0x40, s8, s12, $0xb8;
	[tilespmem:$0x13800] =	vst v63  }
0x85: {  	s8 =	sadd.s32 $0x428, s7  }
0x86: {  	[tilespmem:s19], [sflag:$0x1] =	stream.indirect.gather [hbm4b:s3+s12], $0x40, s8, s12, $0xb8;
	[tilespmem:$0x13800] =	vst v63  }
0x87: {  	s8 =	sadd.s32 $0x640, s10  }
0x88: {  	[hbm4b:s8+s2] =	stream.linear.scatter [tilespmem:s21], [sflag:$0x5], $0x3200, $0x38;
	[tilespmem:$0x13800] =	vst v63  }
0x89: {  	_ =	swait.ge [sflag:s11], $0x3200  }
0x8a: {  	[sflag:s11] =	ssyncset.done $0x0  }
0x8b: {  	[sflag:s11] =	ssyncadd.s32 $0xFFFFCE00  }
0x8c: {  	_ =	swait.ge [sflag:s0], $0x3200  }
0x8d: {  	[sflag:s0] =	ssyncset.done $0x0  }
0x8e: {  	s8 =	sadd.s32 $0x460, s7;
	[sflag:s0] =	ssyncadd.s32 $0xFFFFCE00  }
0x8f: {  	[tilespmem:s21], [sflag:$0x2] =	stream.indirect.gather [hbm4b:s3+s12], $0x40, s8, s12, $0xb8;
	[tilespmem:$0x13800] =	vst v63  }
0x90: {  	s8 =	sadd.s32 $0x498, s7  }
0x91: {  	[tilespmem:s23], [sflag:$0x2] =	stream.indirect.gather [hbm4b:s3+s12], $0x40, s8, s12, $0xb8;
	[tilespmem:$0x13800] =	vst v63  }
0x92: {  	s8 =	sadd.s32 $0x4D0, s7  }
0x93: {  	[tilespmem:s25], [sflag:$0x2] =	stream.indirect.gather [hbm4b:s3+s12], $0x40, s8, s12, $0xb8;
	[tilespmem:$0x13800] =	vst v63  }
0x94: {  	s8 =	sadd.s32 $0x508, s7  }
0x95: {  	[tilespmem:s28], [sflag:$0x2] =	stream.indirect.gather [hbm4b:s3+s12], $0x40, s8, s12, $0xb8;
	[tilespmem:$0x13800] =	vst v63  }
0x96: {  	s8 =	sadd.s32 $0xC80, s10  }
0x97: {  	[hbm4b:s8+s2] =	stream.linear.scatter [tilespmem:s30], [sflag:$0x5], $0x3200, $0x38;
	[tilespmem:$0x13800] =	vst v63  }
0x98: {  	_ =	swait.ge [sflag:s11], $0x3200  }
0x99: {  	[sflag:s11] =	ssyncset.done $0x0  }
0x9a: {  	[sflag:s11] =	ssyncadd.s32 $0xFFFFCE00  }
0x9b: {  	_ =	swait.ge [sflag:s16], $0x3200  }
0x9c: {  	[sflag:s16] =	ssyncset.done $0x0  }
0x9d: {  	s8 =	sadd.s32 $0x540, s7;
	[sflag:s16] =	ssyncadd.s32 $0xFFFFCE00  }
0x9e: {  	[tilespmem:s30], [sflag:$0x3] =	stream.indirect.gather [hbm4b:s3+s12], $0x40, s8, s12, $0xb8;
	[tilespmem:$0x13800] =	vst v63  }
0x9f: {  	s8 =	sadd.s32 $0x578, s7  }
0xa0: {  	[tilespmem:s1], [sflag:$0x3] =	stream.indirect.gather [hbm4b:s3+s12], $0x40, s8, s12, $0xb8;
	[tilespmem:$0x13800] =	vst v63  }
0xa1: {  	s8 =	sadd.s32 $0x5B0, s7  }
0xa2: {  	[tilespmem:s14], [sflag:$0x3] =	stream.indirect.gather [hbm4b:s3+s12], $0x40, s8, s12, $0xb8;
	[tilespmem:$0x13800] =	vst v63  }
0xa3: {  	s7 =	sadd.s32 $0x5E8, s7  }
0xa4: {  	[tilespmem:s18], [sflag:$0x3] =	stream.indirect.gather [hbm4b:s3+s12], $0x40, s7, s12, $0xb8;
	[tilespmem:$0x13800] =	vst v63  }
.Ltmp0:
0xa5: {  	_ = 	snop;
	(pc) =	sbr.rel @p0 .LBB2_2-.Ltmp0, $4  }
0xa6: {  	s7 =	sadd.s32 $0x12C0, s10  }
0xa7: {  	[hbm4b:s7+s2] =	stream.linear.scatter [tilespmem:s22], [sflag:$0x5], $0x3200, $0x38;
	[tilespmem:$0x13800] =	vst v63  }
0xa8: {  	_ =	swait.ge [sflag:s11], $0x3200  }
0xa9: {  	[sflag:s11] =	ssyncset.done $0x0  }
0xaa: {  	[sflag:s11] =	ssyncadd.s32 $0xFFFFCE00;
	s5 =	simm.s32 $0x6F20  }
0xab: {  	[tilespmem:s22], [sflag:$0x4] =	stream.indirect.gather [hbm4b:s3+s12], $0x40, s5, s12, $0xb8;
	[tilespmem:$0x13800] =	vst v63  }
0xac: {  	s10 =	simm.s32 $0x6F58  }
0xad: {  	[tilespmem:s24], [sflag:$0x4] =	stream.indirect.gather [hbm4b:s3+s12], $0x40, s10, s12, $0xb8;
	[tilespmem:$0x13800] =	vst v63  }
0xae: {  	s7 =	simm.s32 $0x6F90  }
0xaf: {  	[tilespmem:s26], [sflag:$0x4] =	stream.indirect.gather [hbm4b:s3+s12], $0x40, s7, s12, $0xb8;
	[tilespmem:$0x13800] =	vst v63  }
0xb0: {  	s8 =	simm.s32 $0x6FC8  }
0xb1: {  	[tilespmem:s29], [sflag:$0x4] =	stream.indirect.gather [hbm4b:s3+s12], $0x40, s8, s12, $0xb8;
	[tilespmem:$0x13800] =	vst v63  }
0xb2: {  	_ =	swait.ge [sflag:s20], $0x3200  }
0xb3: {  	[sflag:s20] =	ssyncset.done $0x0  }
0xb4: {  	s10 =	rddreg [dreg:$0x4];
	[sflag:s20] =	ssyncadd.s32 $0xFFFFCE00  }
0xb5: {  	[hbm4b:s10+s2] =	stream.linear.scatter [tilespmem:s13], [sflag:$0x5], $0x3200, $0x38;
	[tilespmem:$0x13800] =	vst v63  }
0xb6: {  	_ =	swait.ge [sflag:s11], $0x3200  }
0xb7: {  	[sflag:s11] =	ssyncset.done $0x0  }
0xb8: {  	[sflag:s11] =	ssyncadd.s32 $0xFFFFCE00  }
0xb9: {  	_ =	swait.ge [sflag:s31], $0x3200  }
0xba: {  	[sflag:s31] =	ssyncset.done $0x0  }
0xbb: {  	s7 =	rddreg [dreg:$0x5];
	[sflag:s31] =	ssyncadd.s32 $0xFFFFCE00  }
0xbc: {  	[hbm4b:s7+s2] =	stream.linear.scatter [tilespmem:s21], [sflag:$0x5], $0x3200, $0x38;
	[tilespmem:$0x13800] =	vst v63  }
0xbd: {  	_ =	swait.ge [sflag:s11], $0x3200  }
0xbe: {  	[sflag:s11] =	ssyncset.done $0x0  }
0xbf: {  	[sflag:s11] =	ssyncadd.s32 $0xFFFFCE00  }
0xc0: {  	_ =	swait.ge [sflag:s0], $0x3200  }
0xc1: {  	[sflag:s0] =	ssyncset.done $0x0  }
0xc2: {  	s8 =	rddreg [dreg:$0x6];
	[sflag:s0] =	ssyncadd.s32 $0xFFFFCE00  }
0xc3: {  	[hbm4b:s8+s2] =	stream.linear.scatter [tilespmem:s30], [sflag:$0x5], $0x3200, $0x38;
	[tilespmem:$0x13800] =	vst v63  }
0xc4: {  	_ =	swait.ge [sflag:s11], $0x3200  }
0xc5: {  	[sflag:s11] =	ssyncset.done $0x0  }
0xc6: {  	[sflag:s11] =	ssyncadd.s32 $0xFFFFCE00  }
0xc7: {  	s4 =	sadd.s32 $0x1, s4;
	_ =	swait.ge [sflag:s16], $0x3200  }
0xc8: {  	p0 =	sne.s32 s4, s9;
	[sflag:s16] =	ssyncset.done $0x0  }
.Ltmp1:
0xc9: {  	s10 =	rddreg [dreg:$0x7];
	[sflag:s16] =	ssyncadd.s32 $0xFFFFCE00;
	(pc) =	sbr.rel @p0 .LBB2_1-.Ltmp1, $4  }
0xca: {  	[hbm4b:s10+s2] =	stream.linear.scatter [tilespmem:s22], [sflag:$0x5], $0x3200, $0x38;
	[tilespmem:$0x13800] =	vst v63  }
0xcb: {  	_ =	swait.ge [sflag:s11], $0x3200  }
0xcc: {  	[sflag:s11] =	ssyncset.done $0x0  }
0xcd: {  	[sflag:s11] =	ssyncadd.s32 $0xFFFFCE00  }
0xce: {  	_ =	sfence.sel $0x180000  }
0xcf: {  	[bflag:$0x0] =	sbarrier.arrive $0xFFFF  }
0xd0: {  	_ =	strace $0x90000047  }
0xd1: {  	s0 =	stileid.u32;
	[bflag:$0x2] =	sbarrier.arrive $0xFFFF  }
0xd2: {  	p0 =	sne.s32 s0, $0x0;
	s0 =	rddreg [dreg:$0x2]  }
0xd3: {  	s0 =	sadd.s32 @!p0 $0x100000, s0  }
0xd4: {  	[sflag:s0] =	ssyncadd.tile.s32 @!p0 $0x1;
	_ =	shalt  }
.Lfunc_end2:
_tile_overlayer_lowered:
.L_overlay_start_2:
0xd5: {  	(tag) =	ssettag $0x2  }
0xd6: {  	s0 =	rddreg [dreg:$0x0];
	s2 =	stileid.u32  }
0xd7: {  	s1 =	rddreg [dreg:$0x1];
	p0 =	sne.s32 s2, $0x0  }
0xd8: {  	s3 =	rddreg [dreg:$0x2];
	[bflag:$0x3] =	sbarrier.arrive $0xFFFF;
	s2 =	simm.s32 @!p0 $0x1C05  }
0xd9: {  	[timem:s3], [sflag:s2] =	dma.local @!p0 [hbm:s0], s1  }
0xda: {  	s0 =	simm.s32 @!p0 $0x5  }
0xdb: {  	_ =	swait.ge @!p0 [sflag:s0], s1  }
0xdc: {  	s1 =	ssub.s32 @!p0 $0x0, s1;
	[sflag:s0] =	ssyncset.done @!p0 $0x0  }
0xdd: {  	[sflag:s0] =	ssyncadd.s32 @!p0 s1  }
0xde: {  	[bflag:$0x3] =	sbarrier.arrive $0xFFFF  }
0xdf: {  	_ =	shalt  }

// kernel: sparse-core-data-format-call.cloned.1.call-start
scs
called_computation_lowered:
.L_overlay_start_0:
0x0: {  	s2 =	sld [smem:$0x3FD9]  }
0x1: {  	s3 =	sld [smem:$0x3FFE];
	_ =	sdelay $0x1  }
0x2: {  	s1 =	srdreg.scid  }
0x3: {  	s0 =	sand.u32 $0x1, s1  }
0x4: {  	s18 =	sshll.u32 s0, $0xA;
	s2 =	sadd.s32 s3, s2  }
0x5: {  	s2 =	sadd.s32 s2, s18  }
0x6: {  	[smem:$0x3FC6] =	sst s2  }
0x7: {  	_ = 	snop  }
0x8: {  	s2 =	sld [smem:$0x3FD0];
	(tm) =	ssettm $0x1  }
0x9: {  	s19 =	sld [smem:$0x3FFB];
	_ =	sdelay $0x3  }
0xa: {  	_ =	strace s19  }
0xb: {  	s3 =	sld [smem:$0x3FFC];
	_ =	sdelay $0x3  }
0xc: {  	_ =	strace s3  }
0xd: {  	s3 =	sld [smem:$0x3FFD];
	_ =	sdelay $0x3  }
0xe: {  	_ =	strace s3  }
0xf: {  	_ =	strace $0x8FFFFFFF  }
0x10: {  	s20 =	sld [smem:$0x3FDB];
	_ =	sdelay $0x1  }
0x11: {  	s4 =	simm.s32 $_scs_section_size  }
0x12: {  	s5 =	simm.s32 $_size__tile_overlayer_lowered;
	s6 =	simm.s32 $_tile_overlayer_lowered  }
0x13: {  	s23 =	simm.s32 $0x1BFF;
	s22 =	sshll.u32 s6, $0x1;
	s3 =	sadd.s32 s4, s20  }
0x14: {  	s7 =	simm.s32 $0x0;
	s21 =	sshll.u32 s5, $0x1;
	s5 =	sadd.s32 s22, s3  }
0x15: {  	[timem:s7], [sflag:s23] =	dma.local [hbm:s5], s21  }
0x16: {  	_ =	swait.ge [sflag:s23], s21  }
0x17: {  	s4 =	ssub.s32 $0x0, s21;
	[sflag:s23] =	ssyncset.done $0x0  }
0x18: {  	[sflag:s23] =	ssyncadd.s32 s4;
	_ =	sdelay $0x1  }
0x19: {  	s24 =	simm.s32 $0x1B8B  }
0x1a: {  	_ =	swait.ge [sflag:s24], $0x1  }
0x1b: {  	[sflag:s24] =	ssyncset.done $0x0  }
0x1c: {  	s26 =	simm.s32 $0x1B8E;
	s25 =	sld [smem:$0x3FFE];
	[sflag:s24] =	ssyncadd.s32 $0xFFFFFFFF  }
0x1d: {  	s27 =	simm.s32 $execute0_lowered;
	[smem:$0x3FD2] =	sst s26  }
0x1e: {  	s5 =	sshll.u32 s27, $0x1;
	_ =	strace $0x80000049;
	[dreg:$0x1] =	wrdreg $0xFFFFFFFF  }
0x1f: {  	s28 =	simm.s32 $_size_execute0_lowered;
	s3 =	sadd.s32 s3, s5;
	[dreg:$0x0] =	wrdreg $0x0  }
0x20: {  	s5 =	sshll.u32 s28, $0x1;
	[dreg:$0x2] =	wrdreg s3  }
0x21: {  	[dreg:$0x3] =	wrdreg s5  }
0x22: {  	[dreg:$0x4] =	wrdreg $0xC0  }
0x23: {  	_ =	task [dreg:s7], $0x5FFFF  }
0x24: {  	[dreg:$0x1] =	wrdreg $0xFFFFFFFF  }
0x25: {  	[dreg:$0x0] =	wrdreg $0x60  }
0x26: {  	[dreg:$0x2] =	wrdreg s25  }
0x27: {  	[dreg:$0x3] =	wrdreg s2  }
0x28: {  	[dreg:$0x4] =	wrdreg $0x9  }
0x29: {  	_ =	task.clear_ibuf [dreg:s7], $0x5FFFF;
	_ =	strace $0x90000049  }
0x2a: {  	s29 =	simm.s32 $0x9;
	_ =	strace $0x8000004B  }
0x2b: {  	_ =	swait.ge [sflag:s29], $0x1  }
0x2c: {  	[sflag:s29] =	ssyncadd.s32 $0xFFFFFFFF  }
0x2d: {  	_ =	strace $0x9000004B  }
0x2e: {  	_ =	sfence  }
0x2f: {  	s30 =	sld [smem:$0x0];
	_ =	sdelay $0x2  }
0x30: {  	s31 =	sshll.u32 s1, $0xD;
	s1 =	sshrl.u32 s1, $0x2  }
0x31: {  	s3 =	sand.u32 $0x4000, s31;
	s1 =	sadd.s32 s1, s30  }
0x32: {  	s0 =	sor.u32 s3, s0;
	s1 =	sshll.u32 s1, $0x11  }
0x33: {  	s0 =	sor.u32 s1, s0  }
0x34: {  	s0 =	sadd.s32 $0x8F2B, s0  }
0x35: {  	[sflag:s0] =	ssyncadd.remote.s32 $0x1  }
0x36: {  	_ =	sfence.sel $0xFFFF  }
0x37: {  	[dreg:$0x0] =	wrdreg $0xFFFFFFFF;
	(pc) =	sbr.abs _section_cstart, $3  }
0x38: {  	[dreg:$0x1] =	wrdreg $0xFFFFFFFF  }
0x39: {  	_ =	task.clear_ibuf [dreg:s7], $0x2FFFF;
	_ =	strace $0x9FFFFFFF  }
0x3a: {  	(tm) =	ssettm $0x7FFFFFFF  }
0x3b: {  	_ =	shalt  }
tec
execute0_lowered:
.L_overlay_start_1:
0x0: {  	(tag) =	ssettag $0x1  }
0x1: {  	s0 =	srdreg.scid  }
0x2: {  	s1 =	sshll.u32 s0, $0x4  }
0x3: {  	s0 =	stileid.u32;
	s1 =	sand.u32 $0x10, s1  }
0x4: {  	s1 =	sor.u32 s0, s1  }
0x5: {  	s6 =	rddreg [dreg:$0x0];
	s4 =	simm.s32 $0x1;
	s2 =	sshll.u32 s1, $0x7  }
0x6: {  	s7 =	simm.s32 $0x2;
	s12 =	simm.s32 $0x0;
	s1 =	ssub.s32 $0x4000, s2  }
0x7: {  	s8 =	simm.s32 $0x20000;
	s13 =	simm.s32 $0x0;
	s3 =	sand.u32 $0xF80, s1  }
0x8: {  	s9 =	simm.s32 $0x0;
	s5 =	sshrl.u32 s1, $0xC;
	p0 =	sne.s32 s3, $0x0  }
.Ltmp0:
0x9: {  	s1 =	rddreg [dreg:$0x2];
	s4 =	simm.s32 @!p0 $0x0;
	(pc) =	sbr.rel .LBB1_1-.Ltmp0, $4  }
0xa: {  	s11 =	simm.s32 $0x0;
	s3 =	rddreg [dreg:$0x1];
	s5 =	sadd.s32 s4, s5  }
0xb: {  	_ =	strace $0x8000004A;
	s4 =	simm.s32 $0x1;
	s5 =	smul.u32 $0x32, s5  }
0xc: {  	s6 =	sadd.s32 $0xA00, s6;
	s10 =	smov.u32 s2;
	[sflag:s4] =	ssyncpa.u1 $0x0  }
0xd: {  	p0 =	por $0x0, $0x0;
	[sflag:s7] =	ssyncpa.u1 $0x0;
	s7 =	sor.u32 $0x1, s5  }
.LBB1_4:
0xe: {  	s16 =	sshll.u32 s13, $0x3;
	s17 =	sand.u32 $0x78, s13  }
0xf: {  	s30 =	sand.u32 $0x1F800, s13;
	s12 =	sshll.u32 s12, $0x11;
	s16 =	sand.u32 $0x3C00, s16  }
0x10: {  	[tilespmem:s15+$0x810 ss:$0x81] =	vst.msk $0xffff, v2;
	s31 =	sand.u32 $0x7, s13;
	s16 =	sor.u32 s17, s16;
	s17 =	sadd.s32 s3, s30  }
0x11: {  	[tilespmem:s15+$0x1020 ss:$0x81] =	vst.msk $0xffff, v0;
	s13 =	sshll.u32 s31, $0x12;
	s12 =	sadd.s32 s12, s17;
	s16 =	sshrl.u32 s16, $0x3  }
0x12: {  	[tilespmem:s15+$0x0 ss:$0x81] =	vst.msk $0xffff, v1;
	s13 =	sor.u32 $0x400, s13;
	s12 =	sadd.s32 s16, s12  }
0x13: {  	[hbm4b:s12+s13] =	stream.strided.scatter [tilespmem:s14], [sflag:$0x2], $0x2000, s8, s13, $0x20;
	[tilespmem:$0x8080] =	vst v63  }
.LBB1_5:
0x14: {  	s14 =	sadd.s32 $0x1, s9  }
0x15: {  	s12 =	sadd.s32 $0x1000, s10;
	s16 =	smov.u32 s10;
	p2 =	sgt.s32 s14, $0x31  }
0x16: {  	s16 =	smov.u32 @p2 s12  }
0x17: {  	s14 =	simm.s32 @p2 $0x0;
	p2 =	sgt.s32 s16, $0x3FFF  }
0x18: {  	s16 =	smov.u32 @p2 s2;
	p2 =	sne.s32 s11, s7  }
.Ltmp1:
0x19: {  	p1 =	slt.u32 s11, $0x2;
	(pc) =	sbr.rel @!p2 .LBB1_6-.Ltmp1, $4  }
0x1a: {  	s15 =	simm.s32 @!p1 $0x2  }
0x1b: {  	s13 =	smov.u32 s10;
	p0 =	por !p0, !p0;
	_ =	swait.ge @!p1 [sflag:s15], $0x2000  }
0x1c: {  	s12 =	smov.u32 s9;
	[sflag:s15] =	ssyncset.done @!p1 $0x0;
	s9 =	smov.u32 s14  }
0x1d: {  	s11 =	sadd.s32 $0x1, s11;
	[sflag:s15] =	ssyncadd.s32 @!p1 $0xFFFFE000;
	s10 =	smov.u32 s16  }
.LBB1_1:
0x1e: {  	p1 =	sge.u32 s11, s5  }
0x1f: {  	s14 =	sand.u32 @!p1 $0x1FFFFFF, s9  }
0x20: {  	s15 =	smulhi.u32 @!p1 $0x4924925, s14;
	_ =	sdelay $0x1  }
0x21: {  	s15 =	smul.u32 @!p1 $0x38, s15  }
0x22: {  	s16 =	sxor.u32 @!p1 $0xFFFFFFFF, s11;
	s17 =	smul.u32 @!p1 $0x380, s10  }
0x23: {  	s31 =	sadd.s32 $0xFFFFFFFF, s11;
	s16 =	sshll.u32 @!p1 s16, $0xD;
	s14 =	ssub.s32 @!p1 s14, s15  }
0x24: {  	s15 =	sand.u32 @!p1 $0x2000, s16;
	s16 =	sadd.s32 @!p1 s6, s17;
	s14 =	sshll.u32 @!p1 s14, $0x4  }
0x25: {  	s17 =	simm.s32 @!p1 $0x1C00;
	s14 =	sadd.s32 @!p1 s14, s16;
	s16 =	simm.s32 @!p1 $0x40  }
0x26: {  	[tilespmem:s15], [sflag:$0x1] =	stream.strided.gather @!p1 [hbm4b:s14+s16], $0x2000, s17, s16, $0x38;
	[tilespmem:$0x8080] =	vst v63  }
0x27: {  	p1 =	sge.u32 s31, s5  }
.Ltmp2:
0x28: {  	_ = 	snop;
	(pc) =	sbr.rel @p1 .LBB1_5-.Ltmp2, $1  }
0x29: {  	_ =	sdelay $0x3  }
0x2a: {  	s14 =	simm.s32 $0x1  }
0x2b: {  	_ =	swait.ge [sflag:s4], $0x2000;
	s14 =	simm.s32 @!p0 $0x0  }
0x2c: {  	[sflag:s4] =	ssyncset.done $0x0;
	s15 =	sshll.u32 s14, $0xD  }
0x2d: {  	[sflag:s4] =	ssyncadd.s32 $0xFFFFE000;
	s18 =	sor.u32 $0x20, s15  }
0x2e: {  	s14 =	smul.u32 $0x8100, s14;
	v3 =	vld [tilespmem:s18+$0x10]  }
0x2f: {  	s30 =	sand.u32 $0x1, s11;
	v2 =	vld [tilespmem:s18+$0xFFFFFFF0]  }
0x30: {  	s15 =	smul.u32 $0x8100, s30;
	s14 =	sshrl.u32 s14, $0x2;
	v0 =	vld [tilespmem:s18+$0x0]  }
0x31: {  	v1 =	vld [tilespmem:s18+$0xFFFFFFE0];
	s16 =	sor.u32 $0x4000, s14  }
0x32: {  	s31 =	sshrl.u32 s15, $0x2;
	s15 =	sadd.s32 $0x0, s16  }
0x33: {  	s17 =	simm.s32 $0x4;
	s18 =	sadd.s32 $0x40, s18;
	s14 =	sor.u32 $0x4000, s31;
	[tilespmem:s15+$0x1830 ss:$0x81] =	vst.msk $0xffff, v3  }
.LBB1_3:
0x34: {  	v3 =	vld [tilespmem:s18+$0x10];
	p1 =	sne.s32 s17, $0x1FC;
	[tilespmem:s15+$0x810 ss:$0x81] =	vst.msk $0xffff, v2;
	s19 =	smov.u32 s17;
	s17 =	sadd.s32 $0x4, s17  }
.Ltmp3:
0x35: {  	v2 =	vld [tilespmem:s18+$0xFFFFFFF0];
	[tilespmem:s15+$0x1020 ss:$0x81] =	vst.msk $0xffff, v0;
	(pc) =	sbr.rel @p1 .LBB1_3-.Ltmp3, $4  }
0x36: {  	v0 =	vld [tilespmem:s18+$0x0];
	[tilespmem:s15+$0x0 ss:$0x81] =	vst.msk $0xffff, v1  }
0x37: {  	s15 =	sshra.s32 s19, $0x2;
	v1 =	vld [tilespmem:s18+$0xFFFFFFE0]  }
0x38: {  	s15 =	sadd.s32 s15, s16  }
0x39: {  	s18 =	sadd.s32 $0x40, s18;
	[tilespmem:s15+$0x1830 ss:$0x81] =	vst.msk $0xffff, v3  }
.Ltmp4:
0x3a: {  	_ = 	snop;
	(pc) =	sbr.rel .LBB1_4-.Ltmp4, $1  }
0x3b: {  	_ =	sdelay $0x3  }
.LBB1_6:
0x3c: {  	_ =	sfence.sel $0x180000  }
0x3d: {  	s2 =	simm.s32 $0x1;
	[bflag:$0x0] =	sbarrier.arrive $0xFFFF  }
0x3e: {  	s31 =	simm.s32 $0x2;
	[sflag:s2] =	ssyncpa.u1 $0x1  }
0x3f: {  	[sflag:s31] =	ssyncpa.u1 $0x1  }
0x40: {  	p0 =	sne.s32 s0, $0x0;
	_ =	strace $0x9000004A  }
0x41: {  	s0 =	sadd.s32 @!p0 $0x100000, s1;
	[bflag:$0x2] =	sbarrier.arrive $0xFFFF  }
0x42: {  	[sflag:s0] =	ssyncadd.tile.s32 @!p0 $0x1;
	_ =	shalt  }
.Lfunc_end1:
_tile_overlayer_lowered:
.L_overlay_start_2:
0x43: {  	(tag) =	ssettag $0x2  }
0x44: {  	s0 =	rddreg [dreg:$0x0];
	s2 =	stileid.u32  }
0x45: {  	s1 =	rddreg [dreg:$0x1];
	p0 =	sne.s32 s2, $0x0  }
0x46: {  	s3 =	rddreg [dreg:$0x2];
	[bflag:$0x3] =	sbarrier.arrive $0xFFFF;
	s2 =	simm.s32 @!p0 $0x1C01  }
0x47: {  	[timem:s3], [sflag:s2] =	dma.local @!p0 [hbm:s0], s1  }
0x48: {  	s0 =	simm.s32 @!p0 $0x1  }
0x49: {  	_ =	swait.ge @!p0 [sflag:s0], s1  }
0x4a: {  	s1 =	ssub.s32 @!p0 $0x0, s1;
	[sflag:s0] =	ssyncset.done @!p0 $0x0  }
0x4b: {  	[sflag:s0] =	ssyncadd.s32 @!p0 s1  }
0x4c: {  	[bflag:$0x3] =	sbarrier.arrive $0xFFFF  }
0x4d: {  	_ =	shalt  }

</sc_bundles>
